<compile_context>
chip_gen: v7x
topology: tpu7x:2x2x1
jax: 0.10.2.dev20260603
libtpu: 0.0.44.dev20260713+nightly
codegen_flags: <defaults>
</compile_context>

<pallas_src>
import dataclasses
import functools

import jax
import jax.numpy as jnp
from jax import lax
from jax.experimental import pallas as pl
from jax.experimental.pallas import tpu as pltpu
from jax.experimental.pallas import tpu_sc as plsc

NC = 2
NS = 16
NW = NC * NS
CHUNK = 128

def _mesh():
    return plsc.VectorSubcoreMesh(core_axis_name="c", subcore_axis_name="s")


def _sc_params():
    cp = pltpu.CompilerParams()
    if "needs_layout_passes" in pltpu.CompilerParams.__dataclass_fields__:
        cp = dataclasses.replace(cp, needs_layout_passes=False)
    return cp


def _deg_kernel(n_pad, cpt0):
    deg_rows = n_pad // 16

    @functools.partial(
        pl.kernel,
        mesh=_mesh(),
        out_type=jax.ShapeDtypeStruct((NW, deg_rows, 16), jnp.float32),
        scratch_types=[
            pltpu.VMEM((cpt0, CHUNK), jnp.int32),
            pltpu.VMEM((deg_rows, 16), jnp.float32),
        ],
        compiler_params=_sc_params(),
    )
    def deg_kernel(dst_hbm, zeros_hbm, out_hbm, idx_v, deg_v):
        cid = lax.axis_index("c")
        sid = lax.axis_index("s")
        wid = cid * NS + sid
        pltpu.sync_copy(zeros_hbm, deg_v)
        pltpu.sync_copy(dst_hbm.at[wid], idx_v)
        ones = jnp.ones((16,), jnp.float32)

        @pl.loop(0, cpt0)
        def _(c):
            @pl.loop(0, CHUNK // 16)
            def _(j):
                idx = idx_v[c, pl.ds(j * 16, 16)]
                row = lax.shift_right_logical(idx, 4)
                col = lax.bitwise_and(idx, 15)
                plsc.addupdate_scatter(deg_v, [row, col], ones)

        pltpu.sync_copy(deg_v, out_hbm.at[wid])

    return deg_kernel


def _dinv_body(degp_ref, dinv_ref):
    deg = jnp.sum(degp_ref[...], axis=0) + 1.0
    dinv_ref[...] = lax.rsqrt(deg)


def _seg_kernel(n_pad, cpt0, cpt1, rows, d):
    @functools.partial(
        pl.kernel,
        mesh=_mesh(),
        out_type=jax.ShapeDtypeStruct((NC, n_pad, d), jnp.float32),
        scratch_types=[
            pltpu.VMEM_SHARED((n_pad, d), jnp.float32),
            pltpu.VMEM((cpt0, CHUNK), jnp.int32),
            pltpu.VMEM((cpt0, CHUNK), jnp.int32),
            pltpu.VMEM((CHUNK, d), jnp.float32),
        ],
    )
    def seg_kernel(y_hbm, src_hbm, dst_hbm, zeros_hbm, out_hbm,
                   acc, src_v, dst_v, buf0):
        cid = lax.axis_index("c")
        sid = lax.axis_index("s")
        wid = cid * NS + sid
        nc = jnp.where(cid == 0, cpt0, cpt1)
        pltpu.sync_copy(zeros_hbm, acc.at[pl.ds(sid * rows, rows)])
        pltpu.sync_copy(src_hbm.at[wid], src_v)
        pltpu.sync_copy(dst_hbm.at[wid], dst_v)
        plsc.subcore_barrier()

        @pl.loop(0, nc)
        def _(c):
            pltpu.sync_copy(y_hbm.at[src_v.at[c]], buf0)
            pltpu.sync_copy(buf0, acc.at[dst_v.at[c]], add=True)

        plsc.subcore_barrier()
        pltpu.sync_copy(
            acc.at[pl.ds(sid * rows, rows)],
            out_hbm.at[cid].at[pl.ds(sid * rows, rows)],
        )

    return seg_kernel


def _tc1_body(dinv_ref, x_ref, w_ref, y_ref):
    xw = lax.dot(x_ref[...], w_ref[...],
                 precision=lax.Precision.HIGHEST,
                 preferred_element_type=jnp.float32)
    y_ref[...] = xw * dinv_ref[...]


def _tc2_body(accp_ref, y1_ref, dinv_ref, b1_ref, w_ref, y2_ref):
    dinv = dinv_ref[...]
    agg = accp_ref[0] + accp_ref[1] + y1_ref[...]
    h = jnp.maximum(agg * dinv + b1_ref[...], 0.0)
    hw = lax.dot(h, w_ref[...],
                 precision=lax.Precision.HIGHEST,
                 preferred_element_type=jnp.float32)
    y2_ref[...] = hw * dinv


def _tc3_body(accp_ref, y2_ref, dinv_ref, b2_ref, out_ref):
    agg = accp_ref[0] + accp_ref[1] + y2_ref[...]
    out_ref[...] = agg * dinv_ref[...] + b2_ref[...]


def kernel(x, edge, W1, b1, W2, b2):
    n, d = x.shape
    h_dim = W1.shape[1]
    e = edge.shape[1]

    n_pad = -(-n // (NS * CHUNK)) * (NS * CHUNK)
    rows = n_pad // NS

    tc_total = -(-e // CHUNK)
    cpt0 = -(-(tc_total * 611 // 1000) // NS)
    cpt1 = max(1, -(-(tc_total - cpt0 * NS) // NS))
    e0 = NS * cpt0 * CHUNK
    e_pad = e0 + NS * cpt1 * CHUNK

    src = edge[0].astype(jnp.int32)
    dst = edge[1].astype(jnp.int32)
    pad = e_pad - e
    src_p = jnp.concatenate([src, jnp.zeros((pad,), jnp.int32)])
    dst_p = jnp.concatenate([dst, jnp.full((pad,), n, jnp.int32)])

    def _percore(flat, fill):
        p0 = flat[:e0].reshape(NS, cpt0, CHUNK)
        p1 = flat[e0:].reshape(NS, cpt1, CHUNK)
        tail = jnp.full((NS, cpt0 - cpt1, CHUNK), fill, jnp.int32)
        return jnp.concatenate([p0, jnp.concatenate([p1, tail], axis=1)],
                               axis=0)

    src_p = _percore(src_p, 0)
    dst_p = _percore(dst_p, n)

    deg_rows = n_pad // 16
    zeros16 = jnp.zeros((deg_rows, 16), jnp.float32)
    zeros_d = jnp.zeros((rows, d), jnp.float32)

    deg_fn = _deg_kernel(n_pad, cpt0)
    seg_fn = _seg_kernel(n_pad, cpt0, cpt1, rows, d)

    degp = deg_fn(dst_p, zeros16)
    dinv2d = pl.pallas_call(
        _dinv_body,
        in_specs=[pl.BlockSpec((NW, deg_rows, 16), lambda: (0, 0, 0))],
        out_specs=pl.BlockSpec((deg_rows, 16), lambda: (0, 0)),
        out_shape=jax.ShapeDtypeStruct((deg_rows, 16), jnp.float32),
    )(degp)
    dinv = dinv2d.reshape(n_pad, 1)[:n]

    grid = (n // 1000,)
    blk = 1000
    w_spec = pl.BlockSpec((d, h_dim), lambda i: (0, 0))
    accp_spec = pl.BlockSpec((NC, blk, d), lambda i: (0, i, 0))
    row_spec = pl.BlockSpec((blk, d), lambda i: (i, 0))
    dinv_spec = pl.BlockSpec((blk, 1), lambda i: (i, 0))
    bias_spec = pl.BlockSpec((1, d), lambda i: (0, 0))

    y1 = pl.pallas_call(
        _tc1_body,
        grid=grid,
        in_specs=[dinv_spec, row_spec, w_spec],
        out_specs=row_spec,
        out_shape=jax.ShapeDtypeStruct((n, h_dim), jnp.float32),
    )(dinv, x, W1)

    accp1 = seg_fn(y1, src_p, dst_p, zeros_d)

    y2 = pl.pallas_call(
        _tc2_body,
        grid=grid,
        in_specs=[accp_spec, row_spec, dinv_spec, bias_spec, w_spec],
        out_specs=row_spec,
        out_shape=jax.ShapeDtypeStruct((n, h_dim), jnp.float32),
    )(accp1[:, :n, :], y1, dinv, b1.reshape(1, d), W2)

    accp2 = seg_fn(y2, src_p, dst_p, zeros_d)

    out = pl.pallas_call(
        _tc3_body,
        grid=grid,
        in_specs=[accp_spec, row_spec, dinv_spec, bias_spec],
        out_specs=row_spec,
        out_shape=jax.ShapeDtypeStruct((n, h_dim), jnp.float32),
    )(accp2[:, :n, :], y2, dinv, b2.reshape(1, d))

    return out

# --- scband reference (transcript-rebuilt; emitter-appended) ---
"""Pipeline reference for scband-topology-gcn-40587440947893 (READ-ONLY COPY).

The authoritative reference and input builder live on the scoring server;
editing this copy changes nothing except your own understanding.
"""

import jax, jax.numpy as jnp
import numpy as np

N = 10000
E = 320000
D = 128
H = 128


def setup_inputs(seed: int = 0) -> dict:
    key = jax.random.key(seed)
    k1, k2, k3, k4 = jax.random.split(key, 4)
    x = jax.random.normal(k1, (N, D), dtype=jnp.float32)
    edge = jax.random.randint(k2, (2, E), 0, N)
    W1 = jax.random.normal(k3, (D, H), dtype=jnp.float32) * (1.0 / np.sqrt(D))
    b1 = jnp.zeros((H,), dtype=jnp.float32)
    W2 = jax.random.normal(k4, (H, H), dtype=jnp.float32) * (1.0 / np.sqrt(H))
    b2 = jnp.zeros((H,), dtype=jnp.float32)
    return {"x": x, "edge": edge, "W1": W1, "b1": b1, "W2": W2, "b2": b2}


def gcn_conv(x, src, dst, W, b):
    # PyG GCNConv: x' = D^{-1/2} (A + I) D^{-1/2} X W + b
    n = x.shape[0]
    xw = x @ W
    deg = jnp.zeros((n,), dtype=xw.dtype).at[dst].add(1.0)
    dinv = jnp.where(deg > 0, jax.lax.rsqrt(deg), 0.0)
    norm = dinv[src] * dinv[dst]
    msg = xw[src] * norm[:, None]
    out = jnp.zeros_like(xw).at[dst].add(msg)
    return out + b


def reference(x, edge, W1, b1, W2, b2):
    n = x.shape[0]
    loop = jnp.arange(n, dtype=edge.dtype)
    src = jnp.concatenate([edge[0], loop])
    dst = jnp.concatenate([edge[1], loop])
    h = jax.nn.relu(gcn_conv(x, src, dst, W1, b1))
    # dropout is identity in eval mode (training=False)
    return gcn_conv(h, src, dst, W2, b2)

if __name__ == "__main__":
    import jax
    _d = setup_inputs()
    print(jax.jit(kernel)(*tuple(_d.values())))

</pallas_src>

<mosaic_0001>
#map = affine_map<(d0, d1) -> (0, 0, 0)>
#map1 = affine_map<(d0, d1) -> (0, 0)>
module attributes {stable_mosaic.version = 14 : i64} {
  func.func @deg_kernel(%arg0: i32, %arg1: i32, %arg2: memref<32x96x128xi32, #tpu.memory_space<hbm>>, %arg3: memref<640x16xf32, #tpu.memory_space<hbm>>, %arg4: memref<32x640x16xf32, #tpu.memory_space<hbm>>, %arg5: memref<96x128xi32, #tpu.memory_space<vmem>>, %arg6: memref<640x16xf32, #tpu.memory_space<vmem>>) attributes {dimension_semantics = [#tpu.dimension_semantics<core_parallel>, #tpu.dimension_semantics<subcore_parallel>], iteration_bounds = array<i64: 2, 16>, scalar_prefetch = 0 : i64, scratch_operands = 2 : i64, tpu.core_type = #tpu.core_type<sc_vector_subcore>, window_params = [{transform_indices = #map}, {transform_indices = #map1}, {transform_indices = #map}]} {
    %mul3A = arith.constant 16 : i32
    %mul3A_0 = arith.muli %arg0, %mul3A : i32
    %add3A = arith.addi %mul3A_0, %arg1 : i32
    "tpu.region"() ({
      %run_scoped3A = tpu.sem_alloc : memref<!tpu.dma_semaphore, #tpu.memory_space<semaphore_mem>>
      tpu.enqueue_dma source(%arg3 : memref<640x16xf32, #tpu.memory_space<hbm>>) target(%arg6 : memref<640x16xf32, #tpu.memory_space<vmem>>) target_semaphore(%run_scoped3A : memref<!tpu.dma_semaphore, #tpu.memory_space<semaphore_mem>>)
      tpu.wait_dma2 semaphore(%run_scoped3A : memref<!tpu.dma_semaphore, #tpu.memory_space<semaphore_mem>>) src(%arg3 : memref<640x16xf32, #tpu.memory_space<hbm>>) dst(%arg6 : memref<640x16xf32, #tpu.memory_space<vmem>>)
      tpu.yield
    }) : () -> ()
    "tpu.region"() ({
      %run_scoped3A = tpu.sem_alloc : memref<!tpu.dma_semaphore, #tpu.memory_space<semaphore_mem>>
      %dma_start3A = arith.constant 0 : i32
      %dma_start3A_6 = arith.constant 0 : i32
      %dma_start3A_7 = tpu.memref_slice %arg2[%add3A, %dma_start3A, %dma_start3A_6] : memref<32x96x128xi32, #tpu.memory_space<hbm>> -> memref<1x96x128xi32, #tpu.memory_space<hbm>>
      %dma_start3A_8 = tpu.memref_squeeze %dma_start3A_7 : memref<1x96x128xi32, #tpu.memory_space<hbm>> -> memref<96x128xi32, #tpu.memory_space<hbm>>
      %dma_start3A_9 = arith.constant 0 : i32
      %dma_start3A_10 = arith.constant 0 : i32
      %dma_start3A_11 = tpu.memref_slice %arg2[%add3A, %dma_start3A_9, %dma_start3A_10] : memref<32x96x128xi32, #tpu.memory_space<hbm>> -> memref<1x96x128xi32, #tpu.memory_space<hbm>>
      %dma_start3A_12 = tpu.memref_squeeze %dma_start3A_11 : memref<1x96x128xi32, #tpu.memory_space<hbm>> -> memref<96x128xi32, #tpu.memory_space<hbm>>
      tpu.enqueue_dma source(%dma_start3A_12 : memref<96x128xi32, #tpu.memory_space<hbm>>) target(%arg5 : memref<96x128xi32, #tpu.memory_space<vmem>>) target_semaphore(%run_scoped3A : memref<!tpu.dma_semaphore, #tpu.memory_space<semaphore_mem>>)
      %dma_wait3A = arith.constant 0 : i32
      %dma_wait3A_13 = arith.constant 0 : i32
      %dma_wait3A_14 = tpu.memref_slice %arg2[%add3A, %dma_wait3A, %dma_wait3A_13] : memref<32x96x128xi32, #tpu.memory_space<hbm>> -> memref<1x96x128xi32, #tpu.memory_space<hbm>>
      %dma_wait3A_15 = tpu.memref_squeeze %dma_wait3A_14 : memref<1x96x128xi32, #tpu.memory_space<hbm>> -> memref<96x128xi32, #tpu.memory_space<hbm>>
      %dma_wait3A_16 = arith.constant 0 : i32
      %dma_wait3A_17 = arith.constant 0 : i32
      %dma_wait3A_18 = tpu.memref_slice %arg2[%add3A, %dma_wait3A_16, %dma_wait3A_17] : memref<32x96x128xi32, #tpu.memory_space<hbm>> -> memref<1x96x128xi32, #tpu.memory_space<hbm>>
      %dma_wait3A_19 = tpu.memref_squeeze %dma_wait3A_18 : memref<1x96x128xi32, #tpu.memory_space<hbm>> -> memref<96x128xi32, #tpu.memory_space<hbm>>
      tpu.wait_dma2 semaphore(%run_scoped3A : memref<!tpu.dma_semaphore, #tpu.memory_space<semaphore_mem>>) src(%dma_wait3A_19 : memref<96x128xi32, #tpu.memory_space<hbm>>) dst(%arg5 : memref<96x128xi32, #tpu.memory_space<vmem>>)
      tpu.yield
    }) : () -> ()
    %broadcast_in_dim3A = arith.constant 1.000000e+00 : f32
    %broadcast_in_dim3A_1 = vector.broadcast %broadcast_in_dim3A : f32 to vector<16xf32>
    %scan3A = arith.constant 0 : i32
    %scan3A_2 = arith.constant 96 : i32
    %scan3A_3 = arith.addi %scan3A, %scan3A_2 : i32
    %scan3A_4 = arith.constant 1 : i32
    scf.for %scan3A_6 = %scan3A to %scan3A_3 step %scan3A_4  : i32 {
      %mul3A_7 = arith.constant 1 : i32
      %mul3A_8 = arith.muli %scan3A_6, %mul3A_7 : i32
      %add3A_9 = arith.constant 0 : i32
      %add3A_10 = arith.addi %add3A_9, %mul3A_8 : i32
      %scan3A_11 = arith.constant 0 : i32
      %scan3A_12 = arith.constant 8 : i32
      %scan3A_13 = arith.addi %scan3A_11, %scan3A_12 : i32
      %scan3A_14 = arith.constant 1 : i32
      scf.for %scan3A_16 = %scan3A_11 to %scan3A_13 step %scan3A_14  : i32 {
        %mul3A_17 = arith.constant 1 : i32
        %mul3A_18 = arith.muli %scan3A_16, %mul3A_17 : i32
        %add3A_19 = arith.constant 0 : i32
        %add3A_20 = arith.addi %add3A_19, %mul3A_18 : i32
        %mul3A_21 = arith.constant 16 : i32
        %mul3A_22 = arith.muli %add3A_20, %mul3A_21 : i32
        %get3A = arith.index_cast %add3A_10 : i32 to index
        %get3A_23 = arith.index_cast %mul3A_22 : i32 to index
        %get3A_24 = tpu.vector_load %arg5[%get3A, %get3A_23] {strides = array<i32>} : memref<96x128xi32, #tpu.memory_space<vmem>>, vector<16xi32>,
        %shift_right_logical3A = arith.constant 4 : i32
        %shift_right_logical3A_25 = vector.broadcast %shift_right_logical3A : i32 to vector<16xi32>
        %shift_right_logical3A_26 = arith.shrui %get3A_24, %shift_right_logical3A_25 : vector<16xi32>
        %and3A = arith.constant 15 : i32
        %and3A_27 = vector.broadcast %and3A : i32 to vector<16xi32>
        %and3A_28 = arith.andi %get3A_24, %and3A_27 : vector<16xi32>
        tpu.vector_store_idx %arg6[%shift_right_logical3A_26, %and3A_28], %broadcast_in_dim3A_1 {add = true} : memref<640x16xf32, #tpu.memory_space<vmem>>[vector<16xi32>, vector<16xi32>], vector<16xf32>,
      }
      %scan3A_15 = arith.constant 8 : i32
    }
    %scan3A_5 = arith.constant 96 : i32
    "tpu.region"() ({
      %run_scoped3A = tpu.sem_alloc : memref<!tpu.dma_semaphore, #tpu.memory_space<semaphore_mem>>
      %dma_start3A = arith.constant 0 : i32
      %dma_start3A_6 = arith.constant 0 : i32
      %dma_start3A_7 = tpu.memref_slice %arg4[%add3A, %dma_start3A, %dma_start3A_6] : memref<32x640x16xf32, #tpu.memory_space<hbm>> -> memref<1x640x16xf32, #tpu.memory_space<hbm>>
      %dma_start3A_8 = tpu.memref_squeeze %dma_start3A_7 : memref<1x640x16xf32, #tpu.memory_space<hbm>> -> memref<640x16xf32, #tpu.memory_space<hbm>>
      %dma_start3A_9 = arith.constant 0 : i32
      %dma_start3A_10 = arith.constant 0 : i32
      %dma_start3A_11 = tpu.memref_slice %arg4[%add3A, %dma_start3A_9, %dma_start3A_10] : memref<32x640x16xf32, #tpu.memory_space<hbm>> -> memref<1x640x16xf32, #tpu.memory_space<hbm>>
      %dma_start3A_12 = tpu.memref_squeeze %dma_start3A_11 : memref<1x640x16xf32, #tpu.memory_space<hbm>> -> memref<640x16xf32, #tpu.memory_space<hbm>>
      tpu.enqueue_dma source(%arg6 : memref<640x16xf32, #tpu.memory_space<vmem>>) target(%dma_start3A_12 : memref<640x16xf32, #tpu.memory_space<hbm>>) target_semaphore(%run_scoped3A : memref<!tpu.dma_semaphore, #tpu.memory_space<semaphore_mem>>)
      %dma_wait3A = arith.constant 0 : i32
      %dma_wait3A_13 = arith.constant 0 : i32
      %dma_wait3A_14 = tpu.memref_slice %arg4[%add3A, %dma_wait3A, %dma_wait3A_13] : memref<32x640x16xf32, #tpu.memory_space<hbm>> -> memref<1x640x16xf32, #tpu.memory_space<hbm>>
      %dma_wait3A_15 = tpu.memref_squeeze %dma_wait3A_14 : memref<1x640x16xf32, #tpu.memory_space<hbm>> -> memref<640x16xf32, #tpu.memory_space<hbm>>
      %dma_wait3A_16 = arith.constant 0 : i32
      %dma_wait3A_17 = arith.constant 0 : i32
      %dma_wait3A_18 = tpu.memref_slice %arg4[%add3A, %dma_wait3A_16, %dma_wait3A_17] : memref<32x640x16xf32, #tpu.memory_space<hbm>> -> memref<1x640x16xf32, #tpu.memory_space<hbm>>
      %dma_wait3A_19 = tpu.memref_squeeze %dma_wait3A_18 : memref<1x640x16xf32, #tpu.memory_space<hbm>> -> memref<640x16xf32, #tpu.memory_space<hbm>>
      tpu.wait_dma2 semaphore(%run_scoped3A : memref<!tpu.dma_semaphore, #tpu.memory_space<semaphore_mem>>) src(%arg6 : memref<640x16xf32, #tpu.memory_space<vmem>>) dst(%dma_wait3A_19 : memref<640x16xf32, #tpu.memory_space<hbm>>)
      tpu.yield
    }) : () -> ()
    return
  }
}

#map = affine_map<(d0, d1) -> (0, 0)>
#map1 = affine_map<(d0, d1) -> (0, 0, 0)>
module attributes {stable_mosaic.version = 14 : i64} {
  func.func @seg_kernel(%arg0: i32, %arg1: i32, %arg2: memref<10000x128xf32, #tpu.memory_space<hbm>>, %arg3: memref<32x96x128xi32, #tpu.memory_space<hbm>>, %arg4: memref<32x96x128xi32, #tpu.memory_space<hbm>>, %arg5: memref<640x128xf32, #tpu.memory_space<hbm>>, %arg6: memref<2x10240x128xf32, #tpu.memory_space<hbm>>, %arg7: memref<10240x128xf32, #tpu.memory_space<vmem_shared>>, %arg8: memref<96x128xi32, #tpu.memory_space<vmem>>, %arg9: memref<96x128xi32, #tpu.memory_space<vmem>>, %arg10: memref<128x128xf32, #tpu.memory_space<vmem>>) attributes {dimension_semantics = [#tpu.dimension_semantics<core_parallel>, #tpu.dimension_semantics<subcore_parallel>], iteration_bounds = array<i64: 2, 16>, scalar_prefetch = 0 : i64, scratch_operands = 4 : i64, tpu.core_type = #tpu.core_type<sc_vector_subcore>, window_params = [{transform_indices = #map}, {transform_indices = #map1}, {transform_indices = #map1}, {transform_indices = #map}, {transform_indices = #map1}]} {
    %mul3A = arith.constant 16 : i32
    %mul3A_0 = arith.muli %arg0, %mul3A : i32
    %add3A = arith.addi %mul3A_0, %arg1 : i32
    %eq3A = arith.constant 0 : i32
    %eq3A_1 = arith.cmpi eq, %arg0, %eq3A : i32
    %jit3A = arith.constant 96 : i32
    %jit3A_2 = arith.constant 61 : i32
    %select_n3A = arith.select %eq3A_1, %jit3A, %jit3A_2 : i32
    %mul3A_3 = arith.constant 640 : i32
    %mul3A_4 = arith.muli %arg1, %mul3A_3 : i32
    "tpu.region"() ({
      %run_scoped3A = tpu.sem_alloc : memref<!tpu.dma_semaphore, #tpu.memory_space<semaphore_mem>>
      %dma_start3A = arith.constant 0 : i32
      %dma_start3A_26 = tpu.memref_slice %arg7[%mul3A_4, %dma_start3A] : memref<10240x128xf32, #tpu.memory_space<vmem_shared>> -> memref<640x128xf32, #tpu.memory_space<vmem_shared>>
      tpu.enqueue_dma source(%arg5 : memref<640x128xf32, #tpu.memory_space<hbm>>) target(%dma_start3A_26 : memref<640x128xf32, #tpu.memory_space<vmem_shared>>) target_semaphore(%run_scoped3A : memref<!tpu.dma_semaphore, #tpu.memory_space<semaphore_mem>>)
      %dma_wait3A = arith.constant 0 : i32
      %dma_wait3A_27 = tpu.memref_slice %arg7[%mul3A_4, %dma_wait3A] : memref<10240x128xf32, #tpu.memory_space<vmem_shared>> -> memref<640x128xf32, #tpu.memory_space<vmem_shared>>
      tpu.wait_dma2 semaphore(%run_scoped3A : memref<!tpu.dma_semaphore, #tpu.memory_space<semaphore_mem>>) src(%arg5 : memref<640x128xf32, #tpu.memory_space<hbm>>) dst(%dma_wait3A_27 : memref<640x128xf32, #tpu.memory_space<vmem_shared>>)
      tpu.yield
    }) : () -> ()
    "tpu.region"() ({
      %run_scoped3A = tpu.sem_alloc : memref<!tpu.dma_semaphore, #tpu.memory_space<semaphore_mem>>
      %dma_start3A = arith.constant 0 : i32
      %dma_start3A_26 = arith.constant 0 : i32
      %dma_start3A_27 = tpu.memref_slice %arg3[%add3A, %dma_start3A, %dma_start3A_26] : memref<32x96x128xi32, #tpu.memory_space<hbm>> -> memref<1x96x128xi32, #tpu.memory_space<hbm>>
      %dma_start3A_28 = tpu.memref_squeeze %dma_start3A_27 : memref<1x96x128xi32, #tpu.memory_space<hbm>> -> memref<96x128xi32, #tpu.memory_space<hbm>>
      %dma_start3A_29 = arith.constant 0 : i32
      %dma_start3A_30 = arith.constant 0 : i32
      %dma_start3A_31 = tpu.memref_slice %arg3[%add3A, %dma_start3A_29, %dma_start3A_30] : memref<32x96x128xi32, #tpu.memory_space<hbm>> -> memref<1x96x128xi32, #tpu.memory_space<hbm>>
      %dma_start3A_32 = tpu.memref_squeeze %dma_start3A_31 : memref<1x96x128xi32, #tpu.memory_space<hbm>> -> memref<96x128xi32, #tpu.memory_space<hbm>>
      tpu.enqueue_dma source(%dma_start3A_32 : memref<96x128xi32, #tpu.memory_space<hbm>>) target(%arg8 : memref<96x128xi32, #tpu.memory_space<vmem>>) target_semaphore(%run_scoped3A : memref<!tpu.dma_semaphore, #tpu.memory_space<semaphore_mem>>)
      %dma_wait3A = arith.constant 0 : i32
      %dma_wait3A_33 = arith.constant 0 : i32
      %dma_wait3A_34 = tpu.memref_slice %arg3[%add3A, %dma_wait3A, %dma_wait3A_33] : memref<32x96x128xi32, #tpu.memory_space<hbm>> -> memref<1x96x128xi32, #tpu.memory_space<hbm>>
      %dma_wait3A_35 = tpu.memref_squeeze %dma_wait3A_34 : memref<1x96x128xi32, #tpu.memory_space<hbm>> -> memref<96x128xi32, #tpu.memory_space<hbm>>
      %dma_wait3A_36 = arith.constant 0 : i32
      %dma_wait3A_37 = arith.constant 0 : i32
      %dma_wait3A_38 = tpu.memref_slice %arg3[%add3A, %dma_wait3A_36, %dma_wait3A_37] : memref<32x96x128xi32, #tpu.memory_space<hbm>> -> memref<1x96x128xi32, #tpu.memory_space<hbm>>
      %dma_wait3A_39 = tpu.memref_squeeze %dma_wait3A_38 : memref<1x96x128xi32, #tpu.memory_space<hbm>> -> memref<96x128xi32, #tpu.memory_space<hbm>>
      tpu.wait_dma2 semaphore(%run_scoped3A : memref<!tpu.dma_semaphore, #tpu.memory_space<semaphore_mem>>) src(%dma_wait3A_39 : memref<96x128xi32, #tpu.memory_space<hbm>>) dst(%arg8 : memref<96x128xi32, #tpu.memory_space<vmem>>)
      tpu.yield
    }) : () -> ()
    "tpu.region"() ({
      %run_scoped3A = tpu.sem_alloc : memref<!tpu.dma_semaphore, #tpu.memory_space<semaphore_mem>>
      %dma_start3A = arith.constant 0 : i32
      %dma_start3A_26 = arith.constant 0 : i32
      %dma_start3A_27 = tpu.memref_slice %arg4[%add3A, %dma_start3A, %dma_start3A_26] : memref<32x96x128xi32, #tpu.memory_space<hbm>> -> memref<1x96x128xi32, #tpu.memory_space<hbm>>
      %dma_start3A_28 = tpu.memref_squeeze %dma_start3A_27 : memref<1x96x128xi32, #tpu.memory_space<hbm>> -> memref<96x128xi32, #tpu.memory_space<hbm>>
      %dma_start3A_29 = arith.constant 0 : i32
      %dma_start3A_30 = arith.constant 0 : i32
      %dma_start3A_31 = tpu.memref_slice %arg4[%add3A, %dma_start3A_29, %dma_start3A_30] : memref<32x96x128xi32, #tpu.memory_space<hbm>> -> memref<1x96x128xi32, #tpu.memory_space<hbm>>
      %dma_start3A_32 = tpu.memref_squeeze %dma_start3A_31 : memref<1x96x128xi32, #tpu.memory_space<hbm>> -> memref<96x128xi32, #tpu.memory_space<hbm>>
      tpu.enqueue_dma source(%dma_start3A_32 : memref<96x128xi32, #tpu.memory_space<hbm>>) target(%arg9 : memref<96x128xi32, #tpu.memory_space<vmem>>) target_semaphore(%run_scoped3A : memref<!tpu.dma_semaphore, #tpu.memory_space<semaphore_mem>>)
      %dma_wait3A = arith.constant 0 : i32
      %dma_wait3A_33 = arith.constant 0 : i32
      %dma_wait3A_34 = tpu.memref_slice %arg4[%add3A, %dma_wait3A, %dma_wait3A_33] : memref<32x96x128xi32, #tpu.memory_space<hbm>> -> memref<1x96x128xi32, #tpu.memory_space<hbm>>
      %dma_wait3A_35 = tpu.memref_squeeze %dma_wait3A_34 : memref<1x96x128xi32, #tpu.memory_space<hbm>> -> memref<96x128xi32, #tpu.memory_space<hbm>>
      %dma_wait3A_36 = arith.constant 0 : i32
      %dma_wait3A_37 = arith.constant 0 : i32
      %dma_wait3A_38 = tpu.memref_slice %arg4[%add3A, %dma_wait3A_36, %dma_wait3A_37] : memref<32x96x128xi32, #tpu.memory_space<hbm>> -> memref<1x96x128xi32, #tpu.memory_space<hbm>>
      %dma_wait3A_39 = tpu.memref_squeeze %dma_wait3A_38 : memref<1x96x128xi32, #tpu.memory_space<hbm>> -> memref<96x128xi32, #tpu.memory_space<hbm>>
      tpu.wait_dma2 semaphore(%run_scoped3A : memref<!tpu.dma_semaphore, #tpu.memory_space<semaphore_mem>>) src(%dma_wait3A_39 : memref<96x128xi32, #tpu.memory_space<hbm>>) dst(%arg9 : memref<96x128xi32, #tpu.memory_space<vmem>>)
      tpu.yield
    }) : () -> ()
    %barrier3A = arith.constant 0 : index
    tpu.barrier barrier_id(%barrier3A)
    %sub3A = arith.constant 0 : i32
    %sub3A_5 = arith.subi %select_n3A, %sub3A : i32
    %sub3A_6 = arith.constant 1 : i32
    %sub3A_7 = arith.constant 1 : i32
    %sub3A_8 = arith.subi %sub3A_6, %sub3A_7 : i32
    %add3A_9 = arith.addi %sub3A_5, %sub3A_8 : i32
    %div3A = arith.constant 1 : i32
    %div3A_10 = arith.divsi %add3A_9, %div3A : i32
    %while3A = arith.constant 1 : i32
    %while3A_11 = arith.constant 0 : i32
    %while3A_12 = arith.constant 0 : i32
    %while3A_13 = arith.subi %div3A_10, %while3A_12 : i32
    %while3A_14 = arith.addi %while3A_12, %while3A_13 : i32
    %while3A_15 = arith.constant 1 : i32
    %while3A_16 = arith.divsi %while3A_13, %while3A_15 : i32
    %while3A_17 = arith.muli %while3A_16, %while3A_15 : i32
    %while3A_18 = arith.addi %while3A_12, %while3A_17 : i32
    %while3A_19 = arith.constant 1 : i32
    scf.for %while3A_26 = %while3A_12 to %while3A_18 step %while3A_19  : i32 {
      %mul3A_27 = arith.muli %while3A_26, %while3A : i32
      %add3A_28 = arith.addi %while3A_11, %mul3A_27 : i32
      "tpu.region"() ({
        %run_scoped3A = tpu.sem_alloc : memref<!tpu.dma_semaphore, #tpu.memory_space<semaphore_mem>>
        %dma_start3A = arith.constant 0 : i32
        %dma_start3A_29 = tpu.memref_slice %arg8[%add3A_28, %dma_start3A] : memref<96x128xi32, #tpu.memory_space<vmem>> -> memref<1x128xi32, #tpu.memory_space<vmem>>
        %dma_start3A_30 = tpu.memref_squeeze %dma_start3A_29 : memref<1x128xi32, #tpu.memory_space<vmem>> -> memref<128xi32, #tpu.memory_space<vmem>>
        %dma_start3A_31 = arith.constant 0 : i32
        %dma_start3A_32 = arith.constant 0 : i32
        %dma_start3A_33 = tpu.memref_slice %arg2[%dma_start3A_31, %dma_start3A_32] : memref<10000x128xf32, #tpu.memory_space<hbm>> -> memref<10000x128xf32, #tpu.memory_space<hbm>>
        tpu.enqueue_indirect_dma source(%dma_start3A_33 : memref<10000x128xf32, #tpu.memory_space<hbm>>) target(%arg10 : memref<128x128xf32, #tpu.memory_space<vmem>>) offsets(%dma_start3A_30 : memref<128xi32, #tpu.memory_space<vmem>>) semaphore(%run_scoped3A : memref<!tpu.dma_semaphore, #tpu.memory_space<semaphore_mem>>)
        %dma_wait3A = arith.constant 0 : i32
        %dma_wait3A_34 = tpu.memref_slice %arg8[%add3A_28, %dma_wait3A] : memref<96x128xi32, #tpu.memory_space<vmem>> -> memref<1x128xi32, #tpu.memory_space<vmem>>
        %dma_wait3A_35 = tpu.memref_squeeze %dma_wait3A_34 : memref<1x128xi32, #tpu.memory_space<vmem>> -> memref<128xi32, #tpu.memory_space<vmem>>
        %dma_wait3A_36 = arith.constant 0 : i32
        %dma_wait3A_37 = arith.constant 0 : i32
        %dma_wait3A_38 = tpu.memref_slice %arg2[%dma_wait3A_36, %dma_wait3A_37] : memref<10000x128xf32, #tpu.memory_space<hbm>> -> memref<10000x128xf32, #tpu.memory_space<hbm>>
        tpu.wait_indirect_dma semaphore(%run_scoped3A : memref<!tpu.dma_semaphore, #tpu.memory_space<semaphore_mem>>) src(%dma_wait3A_38 : memref<10000x128xf32, #tpu.memory_space<hbm>>) dst(%arg10 : memref<128x128xf32, #tpu.memory_space<vmem>>)
        tpu.yield
      }) : () -> ()
      "tpu.region"() ({
        %run_scoped3A = tpu.sem_alloc : memref<!tpu.dma_semaphore, #tpu.memory_space<semaphore_mem>>
        %dma_start3A = arith.constant 0 : i32
        %dma_start3A_29 = tpu.memref_slice %arg9[%add3A_28, %dma_start3A] : memref<96x128xi32, #tpu.memory_space<vmem>> -> memref<1x128xi32, #tpu.memory_space<vmem>>
        %dma_start3A_30 = tpu.memref_squeeze %dma_start3A_29 : memref<1x128xi32, #tpu.memory_space<vmem>> -> memref<128xi32, #tpu.memory_space<vmem>>
        %dma_start3A_31 = arith.constant 0 : i32
        %dma_start3A_32 = arith.constant 0 : i32
        %dma_start3A_33 = tpu.memref_slice %arg7[%dma_start3A_31, %dma_start3A_32] : memref<10240x128xf32, #tpu.memory_space<vmem_shared>> -> memref<10240x128xf32, #tpu.memory_space<vmem_shared>>
        tpu.enqueue_indirect_dma source(%arg10 : memref<128x128xf32, #tpu.memory_space<vmem>>) target(%dma_start3A_33 : memref<10240x128xf32, #tpu.memory_space<vmem_shared>>) offsets(%dma_start3A_30 : memref<128xi32, #tpu.memory_space<vmem>>) semaphore(%run_scoped3A : memref<!tpu.dma_semaphore, #tpu.memory_space<semaphore_mem>>) {add = true}
        %dma_wait3A = arith.constant 0 : i32
        %dma_wait3A_34 = tpu.memref_slice %arg9[%add3A_28, %dma_wait3A] : memref<96x128xi32, #tpu.memory_space<vmem>> -> memref<1x128xi32, #tpu.memory_space<vmem>>
        %dma_wait3A_35 = tpu.memref_squeeze %dma_wait3A_34 : memref<1x128xi32, #tpu.memory_space<vmem>> -> memref<128xi32, #tpu.memory_space<vmem>>
        %dma_wait3A_36 = arith.constant 0 : i32
        %dma_wait3A_37 = arith.constant 0 : i32
        %dma_wait3A_38 = tpu.memref_slice %arg7[%dma_wait3A_36, %dma_wait3A_37] : memref<10240x128xf32, #tpu.memory_space<vmem_shared>> -> memref<10240x128xf32, #tpu.memory_space<vmem_shared>>
        tpu.wait_indirect_dma semaphore(%run_scoped3A : memref<!tpu.dma_semaphore, #tpu.memory_space<semaphore_mem>>) src(%arg10 : memref<128x128xf32, #tpu.memory_space<vmem>>) dst(%dma_wait3A_38 : memref<10240x128xf32, #tpu.memory_space<vmem_shared>>)
        tpu.yield
      }) : () -> ()
    }
    %while3A_20 = arith.constant 1 : i32
    scf.for %while3A_26 = %while3A_18 to %while3A_14 step %while3A_20  : i32 {
      %mul3A_27 = arith.muli %while3A_26, %while3A : i32
      %add3A_28 = arith.addi %while3A_11, %mul3A_27 : i32
      "tpu.region"() ({
        %run_scoped3A = tpu.sem_alloc : memref<!tpu.dma_semaphore, #tpu.memory_space<semaphore_mem>>
        %dma_start3A = arith.constant 0 : i32
        %dma_start3A_29 = tpu.memref_slice %arg8[%add3A_28, %dma_start3A] : memref<96x128xi32, #tpu.memory_space<vmem>> -> memref<1x128xi32, #tpu.memory_space<vmem>>
        %dma_start3A_30 = tpu.memref_squeeze %dma_start3A_29 : memref<1x128xi32, #tpu.memory_space<vmem>> -> memref<128xi32, #tpu.memory_space<vmem>>
        %dma_start3A_31 = arith.constant 0 : i32
        %dma_start3A_32 = arith.constant 0 : i32
        %dma_start3A_33 = tpu.memref_slice %arg2[%dma_start3A_31, %dma_start3A_32] : memref<10000x128xf32, #tpu.memory_space<hbm>> -> memref<10000x128xf32, #tpu.memory_space<hbm>>
        tpu.enqueue_indirect_dma source(%dma_start3A_33 : memref<10000x128xf32, #tpu.memory_space<hbm>>) target(%arg10 : memref<128x128xf32, #tpu.memory_space<vmem>>) offsets(%dma_start3A_30 : memref<128xi32, #tpu.memory_space<vmem>>) semaphore(%run_scoped3A : memref<!tpu.dma_semaphore, #tpu.memory_space<semaphore_mem>>)
        %dma_wait3A = arith.constant 0 : i32
        %dma_wait3A_34 = tpu.memref_slice %arg8[%add3A_28, %dma_wait3A] : memref<96x128xi32, #tpu.memory_space<vmem>> -> memref<1x128xi32, #tpu.memory_space<vmem>>
        %dma_wait3A_35 = tpu.memref_squeeze %dma_wait3A_34 : memref<1x128xi32, #tpu.memory_space<vmem>> -> memref<128xi32, #tpu.memory_space<vmem>>
        %dma_wait3A_36 = arith.constant 0 : i32
        %dma_wait3A_37 = arith.constant 0 : i32
        %dma_wait3A_38 = tpu.memref_slice %arg2[%dma_wait3A_36, %dma_wait3A_37] : memref<10000x128xf32, #tpu.memory_space<hbm>> -> memref<10000x128xf32, #tpu.memory_space<hbm>>
        tpu.wait_indirect_dma semaphore(%run_scoped3A : memref<!tpu.dma_semaphore, #tpu.memory_space<semaphore_mem>>) src(%dma_wait3A_38 : memref<10000x128xf32, #tpu.memory_space<hbm>>) dst(%arg10 : memref<128x128xf32, #tpu.memory_space<vmem>>)
        tpu.yield
      }) : () -> ()
      "tpu.region"() ({
        %run_scoped3A = tpu.sem_alloc : memref<!tpu.dma_semaphore, #tpu.memory_space<semaphore_mem>>
        %dma_start3A = arith.constant 0 : i32
        %dma_start3A_29 = tpu.memref_slice %arg9[%add3A_28, %dma_start3A] : memref<96x128xi32, #tpu.memory_space<vmem>> -> memref<1x128xi32, #tpu.memory_space<vmem>>
        %dma_start3A_30 = tpu.memref_squeeze %dma_start3A_29 : memref<1x128xi32, #tpu.memory_space<vmem>> -> memref<128xi32, #tpu.memory_space<vmem>>
        %dma_start3A_31 = arith.constant 0 : i32
        %dma_start3A_32 = arith.constant 0 : i32
        %dma_start3A_33 = tpu.memref_slice %arg7[%dma_start3A_31, %dma_start3A_32] : memref<10240x128xf32, #tpu.memory_space<vmem_shared>> -> memref<10240x128xf32, #tpu.memory_space<vmem_shared>>
        tpu.enqueue_indirect_dma source(%arg10 : memref<128x128xf32, #tpu.memory_space<vmem>>) target(%dma_start3A_33 : memref<10240x128xf32, #tpu.memory_space<vmem_shared>>) offsets(%dma_start3A_30 : memref<128xi32, #tpu.memory_space<vmem>>) semaphore(%run_scoped3A : memref<!tpu.dma_semaphore, #tpu.memory_space<semaphore_mem>>) {add = true}
        %dma_wait3A = arith.constant 0 : i32
        %dma_wait3A_34 = tpu.memref_slice %arg9[%add3A_28, %dma_wait3A] : memref<96x128xi32, #tpu.memory_space<vmem>> -> memref<1x128xi32, #tpu.memory_space<vmem>>
        %dma_wait3A_35 = tpu.memref_squeeze %dma_wait3A_34 : memref<1x128xi32, #tpu.memory_space<vmem>> -> memref<128xi32, #tpu.memory_space<vmem>>
        %dma_wait3A_36 = arith.constant 0 : i32
        %dma_wait3A_37 = arith.constant 0 : i32
        %dma_wait3A_38 = tpu.memref_slice %arg7[%dma_wait3A_36, %dma_wait3A_37] : memref<10240x128xf32, #tpu.memory_space<vmem_shared>> -> memref<10240x128xf32, #tpu.memory_space<vmem_shared>>
        tpu.wait_indirect_dma semaphore(%run_scoped3A : memref<!tpu.dma_semaphore, #tpu.memory_space<semaphore_mem>>) src(%arg10 : memref<128x128xf32, #tpu.memory_space<vmem>>) dst(%dma_wait3A_38 : memref<10240x128xf32, #tpu.memory_space<vmem_shared>>)
        tpu.yield
      }) : () -> ()
    }
    %barrier3A_21 = arith.constant 0 : index
    tpu.barrier barrier_id(%barrier3A_21)
    %mul3A_22 = arith.constant 640 : i32
    %mul3A_23 = arith.muli %arg1, %mul3A_22 : i32
    %mul3A_24 = arith.constant 640 : i32
    %mul3A_25 = arith.muli %arg1, %mul3A_24 : i32
    "tpu.region"() ({
      %run_scoped3A = tpu.sem_alloc : memref<!tpu.dma_semaphore, #tpu.memory_space<semaphore_mem>>
      %dma_start3A = arith.constant 0 : i32
      %dma_start3A_26 = arith.constant 0 : i32
      %dma_start3A_27 = tpu.memref_slice %arg6[%arg0, %dma_start3A, %dma_start3A_26] : memref<2x10240x128xf32, #tpu.memory_space<hbm>> -> memref<1x10240x128xf32, #tpu.memory_space<hbm>>
      %dma_start3A_28 = tpu.memref_squeeze %dma_start3A_27 : memref<1x10240x128xf32, #tpu.memory_space<hbm>> -> memref<10240x128xf32, #tpu.memory_space<hbm>>
      %dma_start3A_29 = arith.constant 0 : i32
      %dma_start3A_30 = tpu.memref_slice %dma_start3A_28[%mul3A_25, %dma_start3A_29] : memref<10240x128xf32, #tpu.memory_space<hbm>> -> memref<640x128xf32, #tpu.memory_space<hbm>>
      %dma_start3A_31 = arith.constant 0 : i32
      %dma_start3A_32 = tpu.memref_slice %arg7[%mul3A_23, %dma_start3A_31] : memref<10240x128xf32, #tpu.memory_space<vmem_shared>> -> memref<640x128xf32, #tpu.memory_space<vmem_shared>>
      tpu.enqueue_dma source(%dma_start3A_32 : memref<640x128xf32, #tpu.memory_space<vmem_shared>>) target(%dma_start3A_30 : memref<640x128xf32, #tpu.memory_space<hbm>>) target_semaphore(%run_scoped3A : memref<!tpu.dma_semaphore, #tpu.memory_space<semaphore_mem>>)
      %dma_wait3A = arith.constant 0 : i32
      %dma_wait3A_33 = arith.constant 0 : i32
      %dma_wait3A_34 = tpu.memref_slice %arg6[%arg0, %dma_wait3A, %dma_wait3A_33] : memref<2x10240x128xf32, #tpu.memory_space<hbm>> -> memref<1x10240x128xf32, #tpu.memory_space<hbm>>
      %dma_wait3A_35 = tpu.memref_squeeze %dma_wait3A_34 : memref<1x10240x128xf32, #tpu.memory_space<hbm>> -> memref<10240x128xf32, #tpu.memory_space<hbm>>
      %dma_wait3A_36 = arith.constant 0 : i32
      %dma_wait3A_37 = tpu.memref_slice %dma_wait3A_35[%mul3A_25, %dma_wait3A_36] : memref<10240x128xf32, #tpu.memory_space<hbm>> -> memref<640x128xf32, #tpu.memory_space<hbm>>
      %dma_wait3A_38 = arith.constant 0 : i32
      %dma_wait3A_39 = tpu.memref_slice %arg7[%mul3A_23, %dma_wait3A_38] : memref<10240x128xf32, #tpu.memory_space<vmem_shared>> -> memref<640x128xf32, #tpu.memory_space<vmem_shared>>
      tpu.wait_dma2 semaphore(%run_scoped3A : memref<!tpu.dma_semaphore, #tpu.memory_space<semaphore_mem>>) src(%dma_wait3A_39 : memref<640x128xf32, #tpu.memory_space<vmem_shared>>) dst(%dma_wait3A_37 : memref<640x128xf32, #tpu.memory_space<hbm>>)
      tpu.yield
    }) : () -> ()
    return
  }
}

#map = affine_map<(d0, d1) -> (0, 0)>
#map1 = affine_map<(d0, d1) -> (0, 0, 0)>
module attributes {stable_mosaic.version = 14 : i64} {
  func.func @seg_kernel(%arg0: i32, %arg1: i32, %arg2: memref<10000x128xf32, #tpu.memory_space<hbm>>, %arg3: memref<32x96x128xi32, #tpu.memory_space<hbm>>, %arg4: memref<32x96x128xi32, #tpu.memory_space<hbm>>, %arg5: memref<640x128xf32, #tpu.memory_space<hbm>>, %arg6: memref<2x10240x128xf32, #tpu.memory_space<hbm>>, %arg7: memref<10240x128xf32, #tpu.memory_space<vmem_shared>>, %arg8: memref<96x128xi32, #tpu.memory_space<vmem>>, %arg9: memref<96x128xi32, #tpu.memory_space<vmem>>, %arg10: memref<128x128xf32, #tpu.memory_space<vmem>>) attributes {dimension_semantics = [#tpu.dimension_semantics<core_parallel>, #tpu.dimension_semantics<subcore_parallel>], iteration_bounds = array<i64: 2, 16>, scalar_prefetch = 0 : i64, scratch_operands = 4 : i64, tpu.core_type = #tpu.core_type<sc_vector_subcore>, window_params = [{transform_indices = #map}, {transform_indices = #map1}, {transform_indices = #map1}, {transform_indices = #map}, {transform_indices = #map1}]} {
    %mul3A = arith.constant 16 : i32
    %mul3A_0 = arith.muli %arg0, %mul3A : i32
    %add3A = arith.addi %mul3A_0, %arg1 : i32
    %eq3A = arith.constant 0 : i32
    %eq3A_1 = arith.cmpi eq, %arg0, %eq3A : i32
    %jit3A = arith.constant 96 : i32
    %jit3A_2 = arith.constant 61 : i32
    %select_n3A = arith.select %eq3A_1, %jit3A, %jit3A_2 : i32
    %mul3A_3 = arith.constant 640 : i32
    %mul3A_4 = arith.muli %arg1, %mul3A_3 : i32
    "tpu.region"() ({
      %run_scoped3A = tpu.sem_alloc : memref<!tpu.dma_semaphore, #tpu.memory_space<semaphore_mem>>
      %dma_start3A = arith.constant 0 : i32
      %dma_start3A_26 = tpu.memref_slice %arg7[%mul3A_4, %dma_start3A] : memref<10240x128xf32, #tpu.memory_space<vmem_shared>> -> memref<640x128xf32, #tpu.memory_space<vmem_shared>>
      tpu.enqueue_dma source(%arg5 : memref<640x128xf32, #tpu.memory_space<hbm>>) target(%dma_start3A_26 : memref<640x128xf32, #tpu.memory_space<vmem_shared>>) target_semaphore(%run_scoped3A : memref<!tpu.dma_semaphore, #tpu.memory_space<semaphore_mem>>)
      %dma_wait3A = arith.constant 0 : i32
      %dma_wait3A_27 = tpu.memref_slice %arg7[%mul3A_4, %dma_wait3A] : memref<10240x128xf32, #tpu.memory_space<vmem_shared>> -> memref<640x128xf32, #tpu.memory_space<vmem_shared>>
      tpu.wait_dma2 semaphore(%run_scoped3A : memref<!tpu.dma_semaphore, #tpu.memory_space<semaphore_mem>>) src(%arg5 : memref<640x128xf32, #tpu.memory_space<hbm>>) dst(%dma_wait3A_27 : memref<640x128xf32, #tpu.memory_space<vmem_shared>>)
      tpu.yield
    }) : () -> ()
    "tpu.region"() ({
      %run_scoped3A = tpu.sem_alloc : memref<!tpu.dma_semaphore, #tpu.memory_space<semaphore_mem>>
      %dma_start3A = arith.constant 0 : i32
      %dma_start3A_26 = arith.constant 0 : i32
      %dma_start3A_27 = tpu.memref_slice %arg3[%add3A, %dma_start3A, %dma_start3A_26] : memref<32x96x128xi32, #tpu.memory_space<hbm>> -> memref<1x96x128xi32, #tpu.memory_space<hbm>>
      %dma_start3A_28 = tpu.memref_squeeze %dma_start3A_27 : memref<1x96x128xi32, #tpu.memory_space<hbm>> -> memref<96x128xi32, #tpu.memory_space<hbm>>
      %dma_start3A_29 = arith.constant 0 : i32
      %dma_start3A_30 = arith.constant 0 : i32
      %dma_start3A_31 = tpu.memref_slice %arg3[%add3A, %dma_start3A_29, %dma_start3A_30] : memref<32x96x128xi32, #tpu.memory_space<hbm>> -> memref<1x96x128xi32, #tpu.memory_space<hbm>>
      %dma_start3A_32 = tpu.memref_squeeze %dma_start3A_31 : memref<1x96x128xi32, #tpu.memory_space<hbm>> -> memref<96x128xi32, #tpu.memory_space<hbm>>
      tpu.enqueue_dma source(%dma_start3A_32 : memref<96x128xi32, #tpu.memory_space<hbm>>) target(%arg8 : memref<96x128xi32, #tpu.memory_space<vmem>>) target_semaphore(%run_scoped3A : memref<!tpu.dma_semaphore, #tpu.memory_space<semaphore_mem>>)
      %dma_wait3A = arith.constant 0 : i32
      %dma_wait3A_33 = arith.constant 0 : i32
      %dma_wait3A_34 = tpu.memref_slice %arg3[%add3A, %dma_wait3A, %dma_wait3A_33] : memref<32x96x128xi32, #tpu.memory_space<hbm>> -> memref<1x96x128xi32, #tpu.memory_space<hbm>>
      %dma_wait3A_35 = tpu.memref_squeeze %dma_wait3A_34 : memref<1x96x128xi32, #tpu.memory_space<hbm>> -> memref<96x128xi32, #tpu.memory_space<hbm>>
      %dma_wait3A_36 = arith.constant 0 : i32
      %dma_wait3A_37 = arith.constant 0 : i32
      %dma_wait3A_38 = tpu.memref_slice %arg3[%add3A, %dma_wait3A_36, %dma_wait3A_37] : memref<32x96x128xi32, #tpu.memory_space<hbm>> -> memref<1x96x128xi32, #tpu.memory_space<hbm>>
      %dma_wait3A_39 = tpu.memref_squeeze %dma_wait3A_38 : memref<1x96x128xi32, #tpu.memory_space<hbm>> -> memref<96x128xi32, #tpu.memory_space<hbm>>
      tpu.wait_dma2 semaphore(%run_scoped3A : memref<!tpu.dma_semaphore, #tpu.memory_space<semaphore_mem>>) src(%dma_wait3A_39 : memref<96x128xi32, #tpu.memory_space<hbm>>) dst(%arg8 : memref<96x128xi32, #tpu.memory_space<vmem>>)
      tpu.yield
    }) : () -> ()
    "tpu.region"() ({
      %run_scoped3A = tpu.sem_alloc : memref<!tpu.dma_semaphore, #tpu.memory_space<semaphore_mem>>
      %dma_start3A = arith.constant 0 : i32
      %dma_start3A_26 = arith.constant 0 : i32
      %dma_start3A_27 = tpu.memref_slice %arg4[%add3A, %dma_start3A, %dma_start3A_26] : memref<32x96x128xi32, #tpu.memory_space<hbm>> -> memref<1x96x128xi32, #tpu.memory_space<hbm>>
      %dma_start3A_28 = tpu.memref_squeeze %dma_start3A_27 : memref<1x96x128xi32, #tpu.memory_space<hbm>> -> memref<96x128xi32, #tpu.memory_space<hbm>>
      %dma_start3A_29 = arith.constant 0 : i32
      %dma_start3A_30 = arith.constant 0 : i32
      %dma_start3A_31 = tpu.memref_slice %arg4[%add3A, %dma_start3A_29, %dma_start3A_30] : memref<32x96x128xi32, #tpu.memory_space<hbm>> -> memref<1x96x128xi32, #tpu.memory_space<hbm>>
      %dma_start3A_32 = tpu.memref_squeeze %dma_start3A_31 : memref<1x96x128xi32, #tpu.memory_space<hbm>> -> memref<96x128xi32, #tpu.memory_space<hbm>>
      tpu.enqueue_dma source(%dma_start3A_32 : memref<96x128xi32, #tpu.memory_space<hbm>>) target(%arg9 : memref<96x128xi32, #tpu.memory_space<vmem>>) target_semaphore(%run_scoped3A : memref<!tpu.dma_semaphore, #tpu.memory_space<semaphore_mem>>)
      %dma_wait3A = arith.constant 0 : i32
      %dma_wait3A_33 = arith.constant 0 : i32
      %dma_wait3A_34 = tpu.memref_slice %arg4[%add3A, %dma_wait3A, %dma_wait3A_33] : memref<32x96x128xi32, #tpu.memory_space<hbm>> -> memref<1x96x128xi32, #tpu.memory_space<hbm>>
      %dma_wait3A_35 = tpu.memref_squeeze %dma_wait3A_34 : memref<1x96x128xi32, #tpu.memory_space<hbm>> -> memref<96x128xi32, #tpu.memory_space<hbm>>
      %dma_wait3A_36 = arith.constant 0 : i32
      %dma_wait3A_37 = arith.constant 0 : i32
      %dma_wait3A_38 = tpu.memref_slice %arg4[%add3A, %dma_wait3A_36, %dma_wait3A_37] : memref<32x96x128xi32, #tpu.memory_space<hbm>> -> memref<1x96x128xi32, #tpu.memory_space<hbm>>
      %dma_wait3A_39 = tpu.memref_squeeze %dma_wait3A_38 : memref<1x96x128xi32, #tpu.memory_space<hbm>> -> memref<96x128xi32, #tpu.memory_space<hbm>>
      tpu.wait_dma2 semaphore(%run_scoped3A : memref<!tpu.dma_semaphore, #tpu.memory_space<semaphore_mem>>) src(%dma_wait3A_39 : memref<96x128xi32, #tpu.memory_space<hbm>>) dst(%arg9 : memref<96x128xi32, #tpu.memory_space<vmem>>)
      tpu.yield
    }) : () -> ()
    %barrier3A = arith.constant 0 : index
    tpu.barrier barrier_id(%barrier3A)
    %sub3A = arith.constant 0 : i32
    %sub3A_5 = arith.subi %select_n3A, %sub3A : i32
    %sub3A_6 = arith.constant 1 : i32
    %sub3A_7 = arith.constant 1 : i32
    %sub3A_8 = arith.subi %sub3A_6, %sub3A_7 : i32
    %add3A_9 = arith.addi %sub3A_5, %sub3A_8 : i32
    %div3A = arith.constant 1 : i32
    %div3A_10 = arith.divsi %add3A_9, %div3A : i32
    %while3A = arith.constant 1 : i32
    %while3A_11 = arith.constant 0 : i32
    %while3A_12 = arith.constant 0 : i32
    %while3A_13 = arith.subi %div3A_10, %while3A_12 : i32
    %while3A_14 = arith.addi %while3A_12, %while3A_13 : i32
    %while3A_15 = arith.constant 1 : i32
    %while3A_16 = arith.divsi %while3A_13, %while3A_15 : i32
    %while3A_17 = arith.muli %while3A_16, %while3A_15 : i32
    %while3A_18 = arith.addi %while3A_12, %while3A_17 : i32
    %while3A_19 = arith.constant 1 : i32
    scf.for %while3A_26 = %while3A_12 to %while3A_18 step %while3A_19  : i32 {
      %mul3A_27 = arith.muli %while3A_26, %while3A : i32
      %add3A_28 = arith.addi %while3A_11, %mul3A_27 : i32
      "tpu.region"() ({
        %run_scoped3A = tpu.sem_alloc : memref<!tpu.dma_semaphore, #tpu.memory_space<semaphore_mem>>
        %dma_start3A = arith.constant 0 : i32
        %dma_start3A_29 = tpu.memref_slice %arg8[%add3A_28, %dma_start3A] : memref<96x128xi32, #tpu.memory_space<vmem>> -> memref<1x128xi32, #tpu.memory_space<vmem>>
        %dma_start3A_30 = tpu.memref_squeeze %dma_start3A_29 : memref<1x128xi32, #tpu.memory_space<vmem>> -> memref<128xi32, #tpu.memory_space<vmem>>
        %dma_start3A_31 = arith.constant 0 : i32
        %dma_start3A_32 = arith.constant 0 : i32
        %dma_start3A_33 = tpu.memref_slice %arg2[%dma_start3A_31, %dma_start3A_32] : memref<10000x128xf32, #tpu.memory_space<hbm>> -> memref<10000x128xf32, #tpu.memory_space<hbm>>
        tpu.enqueue_indirect_dma source(%dma_start3A_33 : memref<10000x128xf32, #tpu.memory_space<hbm>>) target(%arg10 : memref<128x128xf32, #tpu.memory_space<vmem>>) offsets(%dma_start3A_30 : memref<128xi32, #tpu.memory_space<vmem>>) semaphore(%run_scoped3A : memref<!tpu.dma_semaphore, #tpu.memory_space<semaphore_mem>>)
        %dma_wait3A = arith.constant 0 : i32
        %dma_wait3A_34 = tpu.memref_slice %arg8[%add3A_28, %dma_wait3A] : memref<96x128xi32, #tpu.memory_space<vmem>> -> memref<1x128xi32, #tpu.memory_space<vmem>>
        %dma_wait3A_35 = tpu.memref_squeeze %dma_wait3A_34 : memref<1x128xi32, #tpu.memory_space<vmem>> -> memref<128xi32, #tpu.memory_space<vmem>>
        %dma_wait3A_36 = arith.constant 0 : i32
        %dma_wait3A_37 = arith.constant 0 : i32
        %dma_wait3A_38 = tpu.memref_slice %arg2[%dma_wait3A_36, %dma_wait3A_37] : memref<10000x128xf32, #tpu.memory_space<hbm>> -> memref<10000x128xf32, #tpu.memory_space<hbm>>
        tpu.wait_indirect_dma semaphore(%run_scoped3A : memref<!tpu.dma_semaphore, #tpu.memory_space<semaphore_mem>>) src(%dma_wait3A_38 : memref<10000x128xf32, #tpu.memory_space<hbm>>) dst(%arg10 : memref<128x128xf32, #tpu.memory_space<vmem>>)
        tpu.yield
      }) : () -> ()
      "tpu.region"() ({
        %run_scoped3A = tpu.sem_alloc : memref<!tpu.dma_semaphore, #tpu.memory_space<semaphore_mem>>
        %dma_start3A = arith.constant 0 : i32
        %dma_start3A_29 = tpu.memref_slice %arg9[%add3A_28, %dma_start3A] : memref<96x128xi32, #tpu.memory_space<vmem>> -> memref<1x128xi32, #tpu.memory_space<vmem>>
        %dma_start3A_30 = tpu.memref_squeeze %dma_start3A_29 : memref<1x128xi32, #tpu.memory_space<vmem>> -> memref<128xi32, #tpu.memory_space<vmem>>
        %dma_start3A_31 = arith.constant 0 : i32
        %dma_start3A_32 = arith.constant 0 : i32
        %dma_start3A_33 = tpu.memref_slice %arg7[%dma_start3A_31, %dma_start3A_32] : memref<10240x128xf32, #tpu.memory_space<vmem_shared>> -> memref<10240x128xf32, #tpu.memory_space<vmem_shared>>
        tpu.enqueue_indirect_dma source(%arg10 : memref<128x128xf32, #tpu.memory_space<vmem>>) target(%dma_start3A_33 : memref<10240x128xf32, #tpu.memory_space<vmem_shared>>) offsets(%dma_start3A_30 : memref<128xi32, #tpu.memory_space<vmem>>) semaphore(%run_scoped3A : memref<!tpu.dma_semaphore, #tpu.memory_space<semaphore_mem>>) {add = true}
        %dma_wait3A = arith.constant 0 : i32
        %dma_wait3A_34 = tpu.memref_slice %arg9[%add3A_28, %dma_wait3A] : memref<96x128xi32, #tpu.memory_space<vmem>> -> memref<1x128xi32, #tpu.memory_space<vmem>>
        %dma_wait3A_35 = tpu.memref_squeeze %dma_wait3A_34 : memref<1x128xi32, #tpu.memory_space<vmem>> -> memref<128xi32, #tpu.memory_space<vmem>>
        %dma_wait3A_36 = arith.constant 0 : i32
        %dma_wait3A_37 = arith.constant 0 : i32
        %dma_wait3A_38 = tpu.memref_slice %arg7[%dma_wait3A_36, %dma_wait3A_37] : memref<10240x128xf32, #tpu.memory_space<vmem_shared>> -> memref<10240x128xf32, #tpu.memory_space<vmem_shared>>
        tpu.wait_indirect_dma semaphore(%run_scoped3A : memref<!tpu.dma_semaphore, #tpu.memory_space<semaphore_mem>>) src(%arg10 : memref<128x128xf32, #tpu.memory_space<vmem>>) dst(%dma_wait3A_38 : memref<10240x128xf32, #tpu.memory_space<vmem_shared>>)
        tpu.yield
      }) : () -> ()
    }
    %while3A_20 = arith.constant 1 : i32
    scf.for %while3A_26 = %while3A_18 to %while3A_14 step %while3A_20  : i32 {
      %mul3A_27 = arith.muli %while3A_26, %while3A : i32
      %add3A_28 = arith.addi %while3A_11, %mul3A_27 : i32
      "tpu.region"() ({
        %run_scoped3A = tpu.sem_alloc : memref<!tpu.dma_semaphore, #tpu.memory_space<semaphore_mem>>
        %dma_start3A = arith.constant 0 : i32
        %dma_start3A_29 = tpu.memref_slice %arg8[%add3A_28, %dma_start3A] : memref<96x128xi32, #tpu.memory_space<vmem>> -> memref<1x128xi32, #tpu.memory_space<vmem>>
        %dma_start3A_30 = tpu.memref_squeeze %dma_start3A_29 : memref<1x128xi32, #tpu.memory_space<vmem>> -> memref<128xi32, #tpu.memory_space<vmem>>
        %dma_start3A_31 = arith.constant 0 : i32
        %dma_start3A_32 = arith.constant 0 : i32
        %dma_start3A_33 = tpu.memref_slice %arg2[%dma_start3A_31, %dma_start3A_32] : memref<10000x128xf32, #tpu.memory_space<hbm>> -> memref<10000x128xf32, #tpu.memory_space<hbm>>
        tpu.enqueue_indirect_dma source(%dma_start3A_33 : memref<10000x128xf32, #tpu.memory_space<hbm>>) target(%arg10 : memref<128x128xf32, #tpu.memory_space<vmem>>) offsets(%dma_start3A_30 : memref<128xi32, #tpu.memory_space<vmem>>) semaphore(%run_scoped3A : memref<!tpu.dma_semaphore, #tpu.memory_space<semaphore_mem>>)
        %dma_wait3A = arith.constant 0 : i32
        %dma_wait3A_34 = tpu.memref_slice %arg8[%add3A_28, %dma_wait3A] : memref<96x128xi32, #tpu.memory_space<vmem>> -> memref<1x128xi32, #tpu.memory_space<vmem>>
        %dma_wait3A_35 = tpu.memref_squeeze %dma_wait3A_34 : memref<1x128xi32, #tpu.memory_space<vmem>> -> memref<128xi32, #tpu.memory_space<vmem>>
        %dma_wait3A_36 = arith.constant 0 : i32
        %dma_wait3A_37 = arith.constant 0 : i32
        %dma_wait3A_38 = tpu.memref_slice %arg2[%dma_wait3A_36, %dma_wait3A_37] : memref<10000x128xf32, #tpu.memory_space<hbm>> -> memref<10000x128xf32, #tpu.memory_space<hbm>>
        tpu.wait_indirect_dma semaphore(%run_scoped3A : memref<!tpu.dma_semaphore, #tpu.memory_space<semaphore_mem>>) src(%dma_wait3A_38 : memref<10000x128xf32, #tpu.memory_space<hbm>>) dst(%arg10 : memref<128x128xf32, #tpu.memory_space<vmem>>)
        tpu.yield
      }) : () -> ()
      "tpu.region"() ({
        %run_scoped3A = tpu.sem_alloc : memref<!tpu.dma_semaphore, #tpu.memory_space<semaphore_mem>>
        %dma_start3A = arith.constant 0 : i32
        %dma_start3A_29 = tpu.memref_slice %arg9[%add3A_28, %dma_start3A] : memref<96x128xi32, #tpu.memory_space<vmem>> -> memref<1x128xi32, #tpu.memory_space<vmem>>
        %dma_start3A_30 = tpu.memref_squeeze %dma_start3A_29 : memref<1x128xi32, #tpu.memory_space<vmem>> -> memref<128xi32, #tpu.memory_space<vmem>>
        %dma_start3A_31 = arith.constant 0 : i32
        %dma_start3A_32 = arith.constant 0 : i32
        %dma_start3A_33 = tpu.memref_slice %arg7[%dma_start3A_31, %dma_start3A_32] : memref<10240x128xf32, #tpu.memory_space<vmem_shared>> -> memref<10240x128xf32, #tpu.memory_space<vmem_shared>>
        tpu.enqueue_indirect_dma source(%arg10 : memref<128x128xf32, #tpu.memory_space<vmem>>) target(%dma_start3A_33 : memref<10240x128xf32, #tpu.memory_space<vmem_shared>>) offsets(%dma_start3A_30 : memref<128xi32, #tpu.memory_space<vmem>>) semaphore(%run_scoped3A : memref<!tpu.dma_semaphore, #tpu.memory_space<semaphore_mem>>) {add = true}
        %dma_wait3A = arith.constant 0 : i32
        %dma_wait3A_34 = tpu.memref_slice %arg9[%add3A_28, %dma_wait3A] : memref<96x128xi32, #tpu.memory_space<vmem>> -> memref<1x128xi32, #tpu.memory_space<vmem>>
        %dma_wait3A_35 = tpu.memref_squeeze %dma_wait3A_34 : memref<1x128xi32, #tpu.memory_space<vmem>> -> memref<128xi32, #tpu.memory_space<vmem>>
        %dma_wait3A_36 = arith.constant 0 : i32
        %dma_wait3A_37 = arith.constant 0 : i32
        %dma_wait3A_38 = tpu.memref_slice %arg7[%dma_wait3A_36, %dma_wait3A_37] : memref<10240x128xf32, #tpu.memory_space<vmem_shared>> -> memref<10240x128xf32, #tpu.memory_space<vmem_shared>>
        tpu.wait_indirect_dma semaphore(%run_scoped3A : memref<!tpu.dma_semaphore, #tpu.memory_space<semaphore_mem>>) src(%arg10 : memref<128x128xf32, #tpu.memory_space<vmem>>) dst(%dma_wait3A_38 : memref<10240x128xf32, #tpu.memory_space<vmem_shared>>)
        tpu.yield
      }) : () -> ()
    }
    %barrier3A_21 = arith.constant 0 : index
    tpu.barrier barrier_id(%barrier3A_21)
    %mul3A_22 = arith.constant 640 : i32
    %mul3A_23 = arith.muli %arg1, %mul3A_22 : i32
    %mul3A_24 = arith.constant 640 : i32
    %mul3A_25 = arith.muli %arg1, %mul3A_24 : i32
    "tpu.region"() ({
      %run_scoped3A = tpu.sem_alloc : memref<!tpu.dma_semaphore, #tpu.memory_space<semaphore_mem>>
      %dma_start3A = arith.constant 0 : i32
      %dma_start3A_26 = arith.constant 0 : i32
      %dma_start3A_27 = tpu.memref_slice %arg6[%arg0, %dma_start3A, %dma_start3A_26] : memref<2x10240x128xf32, #tpu.memory_space<hbm>> -> memref<1x10240x128xf32, #tpu.memory_space<hbm>>
      %dma_start3A_28 = tpu.memref_squeeze %dma_start3A_27 : memref<1x10240x128xf32, #tpu.memory_space<hbm>> -> memref<10240x128xf32, #tpu.memory_space<hbm>>
      %dma_start3A_29 = arith.constant 0 : i32
      %dma_start3A_30 = tpu.memref_slice %dma_start3A_28[%mul3A_25, %dma_start3A_29] : memref<10240x128xf32, #tpu.memory_space<hbm>> -> memref<640x128xf32, #tpu.memory_space<hbm>>
      %dma_start3A_31 = arith.constant 0 : i32
      %dma_start3A_32 = tpu.memref_slice %arg7[%mul3A_23, %dma_start3A_31] : memref<10240x128xf32, #tpu.memory_space<vmem_shared>> -> memref<640x128xf32, #tpu.memory_space<vmem_shared>>
      tpu.enqueue_dma source(%dma_start3A_32 : memref<640x128xf32, #tpu.memory_space<vmem_shared>>) target(%dma_start3A_30 : memref<640x128xf32, #tpu.memory_space<hbm>>) target_semaphore(%run_scoped3A : memref<!tpu.dma_semaphore, #tpu.memory_space<semaphore_mem>>)
      %dma_wait3A = arith.constant 0 : i32
      %dma_wait3A_33 = arith.constant 0 : i32
      %dma_wait3A_34 = tpu.memref_slice %arg6[%arg0, %dma_wait3A, %dma_wait3A_33] : memref<2x10240x128xf32, #tpu.memory_space<hbm>> -> memref<1x10240x128xf32, #tpu.memory_space<hbm>>
      %dma_wait3A_35 = tpu.memref_squeeze %dma_wait3A_34 : memref<1x10240x128xf32, #tpu.memory_space<hbm>> -> memref<10240x128xf32, #tpu.memory_space<hbm>>
      %dma_wait3A_36 = arith.constant 0 : i32
      %dma_wait3A_37 = tpu.memref_slice %dma_wait3A_35[%mul3A_25, %dma_wait3A_36] : memref<10240x128xf32, #tpu.memory_space<hbm>> -> memref<640x128xf32, #tpu.memory_space<hbm>>
      %dma_wait3A_38 = arith.constant 0 : i32
      %dma_wait3A_39 = tpu.memref_slice %arg7[%mul3A_23, %dma_wait3A_38] : memref<10240x128xf32, #tpu.memory_space<vmem_shared>> -> memref<640x128xf32, #tpu.memory_space<vmem_shared>>
      tpu.wait_dma2 semaphore(%run_scoped3A : memref<!tpu.dma_semaphore, #tpu.memory_space<semaphore_mem>>) src(%dma_wait3A_39 : memref<640x128xf32, #tpu.memory_space<vmem_shared>>) dst(%dma_wait3A_37 : memref<640x128xf32, #tpu.memory_space<hbm>>)
      tpu.yield
    }) : () -> ()
    return
  }
}

module attributes {stable_mosaic.version = 14 : i64} {
  func.func @_dinv_body(%arg0: memref<32x640x16xf32, #tpu.memory_space<vmem>>, %arg1: memref<640x16xf32, #tpu.memory_space<vmem>>) attributes {dimension_semantics = [], scalar_prefetch = 0 : i64, scratch_operands = 0 : i64, tpu.core_type = #tpu.core_type<tc>} {
    %get3A = arith.constant 0 : index
    %get3A_0 = arith.constant 0 : index
    %get3A_1 = arith.constant 0 : index
    %get3A_2 = vector.load %arg0[%get3A, %get3A_0, %get3A_1] : memref<32x640x16xf32, #tpu.memory_space<vmem>>, vector<32x640x16xf32>
    %reduce_sum3A = arith.constant dense<0.000000e+00> : vector<640x16xf32>
    %reduce_sum3A_3 = vector.multi_reduction <add>, %get3A_2, %reduce_sum3A [0] : vector<32x640x16xf32> to vector<640x16xf32>
    %add3A = arith.constant 1.000000e+00 : f32
    %add3A_4 = vector.broadcast %add3A : f32 to vector<640x16xf32>
    %add3A_5 = arith.addf %reduce_sum3A_3, %add3A_4 : vector<640x16xf32>
    %rsqrt3A = math.rsqrt %add3A_5 : vector<640x16xf32>
    %swap3A = arith.constant 0 : index
    %swap3A_6 = arith.constant 0 : index
    %swap3A_7 = vector.load %arg1[%swap3A, %swap3A_6] : memref<640x16xf32, #tpu.memory_space<vmem>>, vector<640x16xf32>
    tpu.vector_store %arg1[%swap3A, %swap3A_6], %rsqrt3A {strides = array<i32>} : memref<640x16xf32, #tpu.memory_space<vmem>>, vector<640x16xf32>,
    return
  }
}

module attributes {stable_mosaic.version = 14 : i64} {
  func.func @_tc1_body(%arg0: i32, %arg1: memref<1000x1xf32, #tpu.memory_space<vmem>>, %arg2: memref<1000x128xf32, #tpu.memory_space<vmem>>, %arg3: memref<128x128xf32, #tpu.memory_space<vmem>>, %arg4: memref<1000x128xf32, #tpu.memory_space<vmem>>) attributes {dimension_semantics = [#tpu.dimension_semantics<arbitrary>], iteration_bounds = array<i64: 10>, scalar_prefetch = 0 : i64, scratch_operands = 0 : i64, tpu.core_type = #tpu.core_type<tc>, window_params = [{transform_indices = @transform_0, window_bounds = array<i64: 1000, 1>}, {transform_indices = @transform_1, window_bounds = array<i64: 1000, 128>}, {pipeline_mode = #tpu.pipeline_mode<synchronous>, transform_indices = @transform_2, window_bounds = array<i64: 128, 128>}, {transform_indices = @transform_3, window_bounds = array<i64: 1000, 128>}]} {
    %get3A = arith.constant 0 : index
    %get3A_0 = arith.constant 0 : index
    %get3A_1 = vector.load %arg2[%get3A, %get3A_0] : memref<1000x128xf32, #tpu.memory_space<vmem>>, vector<1000x128xf32>
    %get3A_2 = arith.constant 0 : index
    %get3A_3 = arith.constant 0 : index
    %get3A_4 = vector.load %arg3[%get3A_2, %get3A_3] : memref<128x128xf32, #tpu.memory_space<vmem>>, vector<128x128xf32>
    %dot_general3A = arith.constant dense<0.000000e+00> : vector<1000x128xf32>
    %dot_general3A_5 = tpu.matmul %get3A_1, %get3A_4, %dot_general3A {dimension_numbers = #tpu.dot_dimension_numbers<[1], [0], [0], [1], [0, 0, 1, 1], [], []>, precision = #tpu.contract_precision<fp32>, transpose_lhs_hint = false} : vector<1000x128xf32>, vector<128x128xf32>, vector<1000x128xf32> -> vector<1000x128xf32>
    %get3A_6 = arith.constant 0 : index
    %get3A_7 = arith.constant 0 : index
    %get3A_8 = vector.load %arg1[%get3A_6, %get3A_7] : memref<1000x1xf32, #tpu.memory_space<vmem>>, vector<1000x1xf32>
    %mul3A = vector.broadcast %get3A_8 : vector<1000x1xf32> to vector<1000x128xf32>
    %mul3A_9 = arith.mulf %dot_general3A_5, %mul3A : vector<1000x128xf32>
    %swap3A = arith.constant 0 : index
    %swap3A_10 = arith.constant 0 : index
    %swap3A_11 = vector.load %arg4[%swap3A, %swap3A_10] : memref<1000x128xf32, #tpu.memory_space<vmem>>, vector<1000x128xf32>
    tpu.vector_store %arg4[%swap3A, %swap3A_10], %mul3A_9 {strides = array<i32>} : memref<1000x128xf32, #tpu.memory_space<vmem>>, vector<1000x128xf32>,
    return
  }
  func.func @transform_0(%arg0: i32) -> (i32, i32) {
    %c0_i32 = arith.constant 0 : i32
    %c0_i32_0 = arith.constant 0 : i32
    return %arg0, %c0_i32 : i32, i32
  }
  func.func @transform_1(%arg0: i32) -> (i32, i32) {
    %c0_i32 = arith.constant 0 : i32
    %c0_i32_0 = arith.constant 0 : i32
    return %arg0, %c0_i32 : i32, i32
  }
  func.func @transform_2(%arg0: i32) -> (i32, i32) {
    %c0_i32 = arith.constant 0 : i32
    %c0_i32_0 = arith.constant 0 : i32
    %c0_i32_1 = arith.constant 0 : i32
    return %c0_i32, %c0_i32_0 : i32, i32
  }
  func.func @transform_3(%arg0: i32) -> (i32, i32) {
    %c0_i32 = arith.constant 0 : i32
    %c0_i32_0 = arith.constant 0 : i32
    return %arg0, %c0_i32 : i32, i32
  }
}

module attributes {stable_mosaic.version = 14 : i64} {
  func.func @_tc2_body(%arg0: i32, %arg1: memref<2x1000x128xf32, #tpu.memory_space<vmem>>, %arg2: memref<1000x128xf32, #tpu.memory_space<vmem>>, %arg3: memref<1000x1xf32, #tpu.memory_space<vmem>>, %arg4: memref<1x128xf32, #tpu.memory_space<vmem>>, %arg5: memref<128x128xf32, #tpu.memory_space<vmem>>, %arg6: memref<1000x128xf32, #tpu.memory_space<vmem>>) attributes {dimension_semantics = [#tpu.dimension_semantics<arbitrary>], iteration_bounds = array<i64: 10>, scalar_prefetch = 0 : i64, scratch_operands = 0 : i64, tpu.core_type = #tpu.core_type<tc>, window_params = [{transform_indices = @transform_0, window_bounds = array<i64: 2, 1000, 128>}, {transform_indices = @transform_1, window_bounds = array<i64: 1000, 128>}, {transform_indices = @transform_2, window_bounds = array<i64: 1000, 1>}, {pipeline_mode = #tpu.pipeline_mode<synchronous>, transform_indices = @transform_3, window_bounds = array<i64: 1, 128>}, {pipeline_mode = #tpu.pipeline_mode<synchronous>, transform_indices = @transform_4, window_bounds = array<i64: 128, 128>}, {transform_indices = @transform_5, window_bounds = array<i64: 1000, 128>}]} {
    %get3A = arith.constant 0 : index
    %get3A_0 = arith.constant 0 : index
    %get3A_1 = vector.load %arg3[%get3A, %get3A_0] : memref<1000x1xf32, #tpu.memory_space<vmem>>, vector<1000x1xf32>
    %get3A_2 = arith.constant 0 : index
    %get3A_3 = arith.constant 0 : index
    %get3A_4 = arith.constant 0 : index
    %get3A_5 = vector.load %arg1[%get3A_2, %get3A_3, %get3A_4] : memref<2x1000x128xf32, #tpu.memory_space<vmem>>, vector<1x1000x128xf32>
    %get3A_6 = vector.shape_cast %get3A_5 : vector<1x1000x128xf32> to vector<1000x128xf32>
    %get3A_7 = arith.constant 1 : index
    %get3A_8 = arith.constant 0 : index
    %get3A_9 = arith.constant 0 : index
    %get3A_10 = vector.load %arg1[%get3A_7, %get3A_8, %get3A_9] : memref<2x1000x128xf32, #tpu.memory_space<vmem>>, vector<1x1000x128xf32>
    %get3A_11 = vector.shape_cast %get3A_10 : vector<1x1000x128xf32> to vector<1000x128xf32>
    %add3A = arith.addf %get3A_6, %get3A_11 : vector<1000x128xf32>
    %get3A_12 = arith.constant 0 : index
    %get3A_13 = arith.constant 0 : index
    %get3A_14 = vector.load %arg2[%get3A_12, %get3A_13] : memref<1000x128xf32, #tpu.memory_space<vmem>>, vector<1000x128xf32>
    %add3A_15 = arith.addf %add3A, %get3A_14 : vector<1000x128xf32>
    %mul3A = vector.broadcast %get3A_1 : vector<1000x1xf32> to vector<1000x128xf32>
    %mul3A_16 = arith.mulf %add3A_15, %mul3A : vector<1000x128xf32>
    %get3A_17 = arith.constant 0 : index
    %get3A_18 = arith.constant 0 : index
    %get3A_19 = vector.load %arg4[%get3A_17, %get3A_18] : memref<1x128xf32, #tpu.memory_space<vmem>>, vector<1x128xf32>
    %add3A_20 = vector.broadcast %get3A_19 : vector<1x128xf32> to vector<1000x128xf32>
    %add3A_21 = arith.addf %mul3A_16, %add3A_20 : vector<1000x128xf32>
    %max3A = arith.constant 0.000000e+00 : f32
    %max3A_22 = vector.broadcast %max3A : f32 to vector<1000x128xf32>
    %max3A_23 = arith.maximumf %add3A_21, %max3A_22 : vector<1000x128xf32>
    %get3A_24 = arith.constant 0 : index
    %get3A_25 = arith.constant 0 : index
    %get3A_26 = vector.load %arg5[%get3A_24, %get3A_25] : memref<128x128xf32, #tpu.memory_space<vmem>>, vector<128x128xf32>
    %dot_general3A = arith.constant dense<0.000000e+00> : vector<1000x128xf32>
    %dot_general3A_27 = tpu.matmul %max3A_23, %get3A_26, %dot_general3A {dimension_numbers = #tpu.dot_dimension_numbers<[1], [0], [0], [1], [0, 0, 1, 1], [], []>, precision = #tpu.contract_precision<fp32>, transpose_lhs_hint = false} : vector<1000x128xf32>, vector<128x128xf32>, vector<1000x128xf32> -> vector<1000x128xf32>
    %mul3A_28 = vector.broadcast %get3A_1 : vector<1000x1xf32> to vector<1000x128xf32>
    %mul3A_29 = arith.mulf %dot_general3A_27, %mul3A_28 : vector<1000x128xf32>
    %swap3A = arith.constant 0 : index
    %swap3A_30 = arith.constant 0 : index
    %swap3A_31 = vector.load %arg6[%swap3A, %swap3A_30] : memref<1000x128xf32, #tpu.memory_space<vmem>>, vector<1000x128xf32>
    tpu.vector_store %arg6[%swap3A, %swap3A_30], %mul3A_29 {strides = array<i32>} : memref<1000x128xf32, #tpu.memory_space<vmem>>, vector<1000x128xf32>,
    return
  }
  func.func @transform_0(%arg0: i32) -> (i32, i32, i32) {
    %c0_i32 = arith.constant 0 : i32
    %c0_i32_0 = arith.constant 0 : i32
    %c0_i32_1 = arith.constant 0 : i32
    return %c0_i32, %arg0, %c0_i32_0 : i32, i32, i32
  }
  func.func @transform_1(%arg0: i32) -> (i32, i32) {
    %c0_i32 = arith.constant 0 : i32
    %c0_i32_0 = arith.constant 0 : i32
    return %arg0, %c0_i32 : i32, i32
  }
  func.func @transform_2(%arg0: i32) -> (i32, i32) {
    %c0_i32 = arith.constant 0 : i32
    %c0_i32_0 = arith.constant 0 : i32
    return %arg0, %c0_i32 : i32, i32
  }
  func.func @transform_3(%arg0: i32) -> (i32, i32) {
    %c0_i32 = arith.constant 0 : i32
    %c0_i32_0 = arith.constant 0 : i32
    %c0_i32_1 = arith.constant 0 : i32
    return %c0_i32, %c0_i32_0 : i32, i32
  }
  func.func @transform_4(%arg0: i32) -> (i32, i32) {
    %c0_i32 = arith.constant 0 : i32
    %c0_i32_0 = arith.constant 0 : i32
    %c0_i32_1 = arith.constant 0 : i32
    return %c0_i32, %c0_i32_0 : i32, i32
  }
  func.func @transform_5(%arg0: i32) -> (i32, i32) {
    %c0_i32 = arith.constant 0 : i32
    %c0_i32_0 = arith.constant 0 : i32
    return %arg0, %c0_i32 : i32, i32
  }
}

module attributes {stable_mosaic.version = 14 : i64} {
  func.func @_tc3_body(%arg0: i32, %arg1: memref<2x1000x128xf32, #tpu.memory_space<vmem>>, %arg2: memref<1000x128xf32, #tpu.memory_space<vmem>>, %arg3: memref<1000x1xf32, #tpu.memory_space<vmem>>, %arg4: memref<1x128xf32, #tpu.memory_space<vmem>>, %arg5: memref<1000x128xf32, #tpu.memory_space<vmem>>) attributes {dimension_semantics = [#tpu.dimension_semantics<arbitrary>], iteration_bounds = array<i64: 10>, scalar_prefetch = 0 : i64, scratch_operands = 0 : i64, tpu.core_type = #tpu.core_type<tc>, window_params = [{transform_indices = @transform_0, window_bounds = array<i64: 2, 1000, 128>}, {transform_indices = @transform_1, window_bounds = array<i64: 1000, 128>}, {transform_indices = @transform_2, window_bounds = array<i64: 1000, 1>}, {pipeline_mode = #tpu.pipeline_mode<synchronous>, transform_indices = @transform_3, window_bounds = array<i64: 1, 128>}, {transform_indices = @transform_4, window_bounds = array<i64: 1000, 128>}]} {
    %get3A = arith.constant 0 : index
    %get3A_0 = arith.constant 0 : index
    %get3A_1 = arith.constant 0 : index
    %get3A_2 = vector.load %arg1[%get3A, %get3A_0, %get3A_1] : memref<2x1000x128xf32, #tpu.memory_space<vmem>>, vector<1x1000x128xf32>
    %get3A_3 = vector.shape_cast %get3A_2 : vector<1x1000x128xf32> to vector<1000x128xf32>
    %get3A_4 = arith.constant 1 : index
    %get3A_5 = arith.constant 0 : index
    %get3A_6 = arith.constant 0 : index
    %get3A_7 = vector.load %arg1[%get3A_4, %get3A_5, %get3A_6] : memref<2x1000x128xf32, #tpu.memory_space<vmem>>, vector<1x1000x128xf32>
    %get3A_8 = vector.shape_cast %get3A_7 : vector<1x1000x128xf32> to vector<1000x128xf32>
    %add3A = arith.addf %get3A_3, %get3A_8 : vector<1000x128xf32>
    %get3A_9 = arith.constant 0 : index
    %get3A_10 = arith.constant 0 : index
    %get3A_11 = vector.load %arg2[%get3A_9, %get3A_10] : memref<1000x128xf32, #tpu.memory_space<vmem>>, vector<1000x128xf32>
    %add3A_12 = arith.addf %add3A, %get3A_11 : vector<1000x128xf32>
    %get3A_13 = arith.constant 0 : index
    %get3A_14 = arith.constant 0 : index
    %get3A_15 = vector.load %arg3[%get3A_13, %get3A_14] : memref<1000x1xf32, #tpu.memory_space<vmem>>, vector<1000x1xf32>
    %mul3A = vector.broadcast %get3A_15 : vector<1000x1xf32> to vector<1000x128xf32>
    %mul3A_16 = arith.mulf %add3A_12, %mul3A : vector<1000x128xf32>
    %get3A_17 = arith.constant 0 : index
    %get3A_18 = arith.constant 0 : index
    %get3A_19 = vector.load %arg4[%get3A_17, %get3A_18] : memref<1x128xf32, #tpu.memory_space<vmem>>, vector<1x128xf32>
    %add3A_20 = vector.broadcast %get3A_19 : vector<1x128xf32> to vector<1000x128xf32>
    %add3A_21 = arith.addf %mul3A_16, %add3A_20 : vector<1000x128xf32>
    %swap3A = arith.constant 0 : index
    %swap3A_22 = arith.constant 0 : index
    %swap3A_23 = vector.load %arg5[%swap3A, %swap3A_22] : memref<1000x128xf32, #tpu.memory_space<vmem>>, vector<1000x128xf32>
    tpu.vector_store %arg5[%swap3A, %swap3A_22], %add3A_21 {strides = array<i32>} : memref<1000x128xf32, #tpu.memory_space<vmem>>, vector<1000x128xf32>,
    return
  }
  func.func @transform_0(%arg0: i32) -> (i32, i32, i32) {
    %c0_i32 = arith.constant 0 : i32
    %c0_i32_0 = arith.constant 0 : i32
    %c0_i32_1 = arith.constant 0 : i32
    return %c0_i32, %arg0, %c0_i32_0 : i32, i32, i32
  }
  func.func @transform_1(%arg0: i32) -> (i32, i32) {
    %c0_i32 = arith.constant 0 : i32
    %c0_i32_0 = arith.constant 0 : i32
    return %arg0, %c0_i32 : i32, i32
  }
  func.func @transform_2(%arg0: i32) -> (i32, i32) {
    %c0_i32 = arith.constant 0 : i32
    %c0_i32_0 = arith.constant 0 : i32
    return %arg0, %c0_i32 : i32, i32
  }
  func.func @transform_3(%arg0: i32) -> (i32, i32) {
    %c0_i32 = arith.constant 0 : i32
    %c0_i32_0 = arith.constant 0 : i32
    %c0_i32_1 = arith.constant 0 : i32
    return %c0_i32, %c0_i32_0 : i32, i32
  }
  func.func @transform_4(%arg0: i32) -> (i32, i32) {
    %c0_i32 = arith.constant 0 : i32
    %c0_i32_0 = arith.constant 0 : i32
    return %arg0, %c0_i32 : i32, i32
  }
}

</mosaic_0001>

<sc_bundles>
// kernel: kernel.12.cloned.1.call-start
scs
__scs_entry_jumppad:
0x0: {  	(pc) =	sbr.rel $0x88, $3  }
0x1: {  	(tag) =	ssettag $0x0;
	lr =	simm.s32 $0x1  }
0x2: {  	[smem:$0x3F9B] =	sst lr;
	_ =	strace $0xD0000000  }
0x3: {  	_ = 	snop  }
0x4: {  	_ = 	snop  }
0x5: {  	_ = 	snop  }
0x6: {  	_ = 	snop  }
0x7: {  	_ = 	snop  }
__scs_overlays_trampoline_lowered:
0x8: {  	[smem:$0x3FAA] =	sst s0  }
0x9: {  	[smem:$0x3FAB] =	sst s1  }
0xa: {  	[smem:$0x3FAC] =	sst s2  }
0xb: {  	[smem:$0x3FAD] =	sst s3  }
0xc: {  	[smem:$0x3FAE] =	sst s4  }
0xd: {  	[smem:$0x3FAF] =	sst s5  }
0xe: {  	[smem:$0x3FB0] =	sst s6  }
0xf: {  	[smem:$0x3FB1] =	sst s7  }
0x10: {  	[smem:$0x3FB2] =	sst s8  }
0x11: {  	[smem:$0x3FB3] =	sst s9;
	s0 =	simm.s32 @!p0 $0x0  }
0x12: {  	s1 =	sld [smem:$0x3F99];
	s0 =	simm.s32 @p0 $0x1  }
0x13: {  	[smem:$0x3FB4] =	sst s0;
	s0 =	simm.s32 @!p1 $0x0  }
0x14: {  	s2 =	sld [smem:$0x3F98];
	s0 =	simm.s32 @p1 $0x1  }
0x15: {  	[smem:$0x3FB5] =	sst s0;
	s0 =	simm.s32 @!p2 $0x0  }
0x16: {  	s3 =	sld [smem:$0x3FDB];
	s0 =	simm.s32 @p2 $0x1  }
0x17: {  	s4 =	simm.s32 $0x1BF5;
	[smem:$0x3FB7] =	sst s0  }
0x18: {  	s0 =	sld [smem:$0x3F9A];
	_ =	swait.ge [sflag:s4], $0x0  }
0x19: {  	s7 =	sld [smem:$0x3F9B]  }
0x1a: {  	s8 =	sadd.s32 $0xFFFFE003, lr  }
0x1b: {  	s9 =	sadd.s32 $0xFFFFFEF7, lr;
	s5 =	simm.s32 $0xFFFFFFFF;
	p2 =	slt.u32 s8, $0xFFFFF086  }
0x1c: {  	p1 =	slt.u32 s9, $0xF7A;
	s5 =	simm.s32 @!p2 $0x0  }
0x1d: {  	s5 =	simm.s32 @p1 $0x1;
	p0 =	seq.s32 s7, s2  }
0x1e: {  	s7 =	smul.u32 @!p0 $0xF7A, s2;
	p2 =	seq.s32 @!p0 s5, $0x0  }
0x1f: {  	s9 =	smul.u32 $0xF7A, s1;
	s8 =	simm.s32 @!p0 $0x1BF5;
	p2 =	por !p2, p0  }
0x20: {  	[sflag:s8] =	ssyncset.s32 @!p0 $0xFFFFF086;
	s6 =	sadd.s32 @!p0 s3, s7;
	s7 =	simm.s32 @!p0 $0x108  }
0x21: {  	s3 =	sadd.s32 s3, s9;
	s6 =	sadd.s32 @!p0 $0x88, s6;
	s7 =	simm.s32 @p2 $0x1082  }
0x22: {  	[simem:s7], [sflag:s8] =	dma.local @!p0 [hbm:s6], $0xF7A  }
0x23: {  	s9 =	sor.u32 $0xD0000000, s2;
	s6 =	simm.s32 $0x108;
	_ =	swait.ge @!p0 [sflag:s8], $0x0  }
0x24: {  	s3 =	sadd.s32 $0x88, s3;
	s6 =	simm.s32 @!p1 $0x1082;
	[sflag:s4] =	ssyncset.s32 $0xFFFFF086  }
0x25: {  	[simem:s6], [sflag:s4] =	dma.local [hbm:s3], $0xF7A  }
0x26: {  	[smem:$0x3F9B] =	sst s1;
	(tag) =	ssettag s2;
	_ =	strace s9  }
0x27: {  	s1 =	sld [smem:$0x3FAB]  }
0x28: {  	s2 =	sld [smem:$0x3FAC]  }
0x29: {  	s4 =	sld [smem:$0x3FAE]  }
0x2a: {  	p0 =	seq.s32 s5, $0x0;
	s5 =	sld [smem:$0x3FAF]  }
0x2b: {  	s6 =	sld [smem:$0x3FB0]  }
0x2c: {  	s7 =	sld [smem:$0x3FB1]  }
0x2d: {  	s3 =	simm.s32 $0x108;
	s8 =	sld [smem:$0x3FB2]  }
0x2e: {  	s3 =	simm.s32 @!p0 $0x1082;
	s9 =	sld [smem:$0x3FB3]  }
0x2f: {  	lr =	sadd.s32 s0, s3;
	s0 =	sld [smem:$0x3FAA]  }
0x30: {  	s3 =	sld [smem:$0x3FAD]  }
0x31: {  	[smem:$0x3FB6] =	sst s10  }
0x32: {  	s10 =	sld [smem:$0x3FB4];
	_ =	sdelay $0x3  }
0x33: {  	p0 =	seq.s32 s10, $0x1;
	s10 =	sld [smem:$0x3FB6];
	_ =	sdelay $0x3  }
0x34: {  	[smem:$0x3FB6] =	sst s10  }
0x35: {  	s10 =	sld [smem:$0x3FB5];
	_ =	sdelay $0x3  }
0x36: {  	p1 =	seq.s32 s10, $0x1;
	s10 =	sld [smem:$0x3FB6];
	_ =	sdelay $0x3  }
0x37: {  	[smem:$0x3FB6] =	sst s10  }
0x38: {  	s10 =	sld [smem:$0x3FB7]  }
0x39: {  	_ = 	snop;
	(pc) =	sbr.ind lr, $3  }
0x3a: {  	_ = 	snop  }
0x3b: {  	_ = 	snop  }
0x3c: {  	p2 =	seq.s32 s10, $0x1;
	s10 =	sld [smem:$0x3FB6]  }
0x3d: {  	_ =	shalt  }
0x3e: {  	_ =	shalt  }
0x3f: {  	_ =	shalt  }
0x40: {  	_ =	shalt  }
0x41: {  	_ =	shalt  }
0x42: {  	_ =	shalt  }
0x43: {  	_ =	shalt  }
0x44: {  	_ =	shalt  }
0x45: {  	_ =	shalt  }
0x46: {  	_ =	shalt  }
0x47: {  	_ =	shalt  }
0x48: {  	_ =	shalt  }
0x49: {  	_ =	shalt  }
0x4a: {  	_ =	shalt  }
0x4b: {  	_ =	shalt  }
0x4c: {  	_ =	shalt  }
0x4d: {  	_ =	shalt  }
0x4e: {  	_ =	shalt  }
0x4f: {  	_ =	shalt  }
0x50: {  	_ =	shalt  }
0x51: {  	_ =	shalt  }
0x52: {  	_ =	shalt  }
0x53: {  	_ =	shalt  }
0x54: {  	_ =	shalt  }
0x55: {  	_ =	shalt  }
0x56: {  	_ =	shalt  }
0x57: {  	_ =	shalt  }
0x58: {  	_ =	shalt  }
0x59: {  	_ =	shalt  }
0x5a: {  	_ =	shalt  }
0x5b: {  	_ =	shalt  }
0x5c: {  	_ =	shalt  }
0x5d: {  	_ =	shalt  }
0x5e: {  	_ =	shalt  }
0x5f: {  	_ =	shalt  }
0x60: {  	_ =	shalt  }
0x61: {  	_ =	shalt  }
0x62: {  	_ =	shalt  }
0x63: {  	_ =	shalt  }
0x64: {  	_ =	shalt  }
0x65: {  	_ =	shalt  }
0x66: {  	_ =	shalt  }
0x67: {  	_ =	shalt  }
0x68: {  	_ =	shalt  }
0x69: {  	_ =	shalt  }
0x6a: {  	_ =	shalt  }
0x6b: {  	_ =	shalt  }
0x6c: {  	_ =	shalt  }
0x6d: {  	_ =	shalt  }
0x6e: {  	_ =	shalt  }
0x6f: {  	_ =	shalt  }
0x70: {  	_ =	shalt  }
0x71: {  	_ =	shalt  }
0x72: {  	_ =	shalt  }
0x73: {  	_ =	shalt  }
0x74: {  	_ =	shalt  }
0x75: {  	_ =	shalt  }
0x76: {  	_ =	shalt  }
0x77: {  	_ =	shalt  }
0x78: {  	_ =	shalt  }
0x79: {  	_ =	shalt  }
0x7a: {  	_ =	shalt  }
0x7b: {  	_ =	shalt  }
0x7c: {  	_ =	shalt  }
0x7d: {  	_ =	shalt  }
0x7e: {  	_ =	shalt  }
0x7f: {  	_ =	shalt  }
0x80: {  	_ =	shalt  }
0x81: {  	_ =	shalt  }
0x82: {  	_ =	shalt  }
0x83: {  	_ =	shalt  }
0x84: {  	_ =	shalt  }
0x85: {  	_ =	shalt  }
0x86: {  	_ =	shalt  }
0x87: {  	_ =	shalt  }
.Lfunc_end0:
.L_simem_size_0:
called_computation.1_lowered:
.L_overlay_start_0:
0x88: {  	s2 =	sld [smem:$0x3FD9]  }
0x89: {  	s3 =	sld [smem:$0x3FFE];
	_ =	sdelay $0x1  }
0x8a: {  	s1 =	srdreg.scid  }
0x8b: {  	s0 =	sand.u32 $0x1, s1  }
0x8c: {  	s17 =	sshll.u32 s0, $0xA;
	s2 =	sadd.s32 s3, s2  }
0x8d: {  	s2 =	sadd.s32 s2, s17  }
0x8e: {  	[smem:$0x3FC2] =	sst s2  }
0x8f: {  	_ = 	snop  }
0x90: {  	s2 =	sld [smem:$0x3FD0];
	(tm) =	ssettm $0x1  }
0x91: {  	s18 =	sld [smem:$0x3FFB];
	_ =	sdelay $0x3  }
0x92: {  	_ =	strace s18  }
0x93: {  	s3 =	sld [smem:$0x3FFC];
	_ =	sdelay $0x3  }
0x94: {  	_ =	strace s3  }
0x95: {  	s3 =	sld [smem:$0x3FFD];
	_ =	sdelay $0x3  }
0x96: {  	_ =	strace s3  }
0x97: {  	_ =	strace $0x8FFFFFFF  }
0x98: {  	s19 =	sld [smem:$0x3FDB];
	_ =	sdelay $0x1  }
0x99: {  	s4 =	simm.s32 $_scs_section_size  }
0x9a: {  	s5 =	simm.s32 $_size__tile_overlayer_lowered;
	s6 =	simm.s32 $_tile_overlayer_lowered  }
0x9b: {  	s22 =	simm.s32 $0x1BFF;
	s21 =	sshll.u32 s6, $0x1;
	s3 =	sadd.s32 s4, s19  }
0x9c: {  	s7 =	simm.s32 $0x0;
	s20 =	sshll.u32 s5, $0x1;
	s5 =	sadd.s32 s21, s3  }
0x9d: {  	[timem:s7], [sflag:s22] =	dma.local [hbm:s5], s20  }
0x9e: {  	_ =	swait.ge [sflag:s22], s20  }
0x9f: {  	s4 =	ssub.s32 $0x0, s20;
	[sflag:s22] =	ssyncset.done $0x0  }
0xa0: {  	[sflag:s22] =	ssyncadd.s32 s4;
	_ =	sdelay $0x1  }
0xa1: {  	s23 =	simm.s32 $0x1B8B  }
0xa2: {  	_ =	swait.ge [sflag:s23], $0x1  }
0xa3: {  	[sflag:s23] =	ssyncset.done $0x0  }
0xa4: {  	s25 =	simm.s32 $0x1B8E;
	s24 =	sld [smem:$0x3FFE];
	[sflag:s23] =	ssyncadd.s32 $0xFFFFFFFF  }
0xa5: {  	s26 =	simm.s32 $execute0_lowered;
	[smem:$0x3FD2] =	sst s25  }
0xa6: {  	s5 =	sshll.u32 s26, $0x1;
	_ =	strace $0x80000049;
	[dreg:$0x1] =	wrdreg $0xFFFFFFFF  }
0xa7: {  	s28 =	simm.s32 $_size_execute0_lowered;
	s3 =	sadd.s32 s3, s5;
	[dreg:$0x0] =	wrdreg $0x0  }
0xa8: {  	s5 =	sshll.u32 s28, $0x1;
	[dreg:$0x2] =	wrdreg s3  }
0xa9: {  	[dreg:$0x3] =	wrdreg s5  }
0xaa: {  	[dreg:$0x4] =	wrdreg $0xC0  }
0xab: {  	_ =	task [dreg:s7], $0x5FFFF  }
0xac: {  	[dreg:$0x1] =	wrdreg $0xFFFFFFFF  }
0xad: {  	[dreg:$0x0] =	wrdreg $0x60  }
0xae: {  	[dreg:$0x2] =	wrdreg s2  }
0xaf: {  	[dreg:$0x3] =	wrdreg s24  }
0xb0: {  	[dreg:$0x4] =	wrdreg $0x0  }
0xb1: {  	[dreg:$0x5] =	wrdreg $0x9  }
0xb2: {  	_ =	task.clear_ibuf [dreg:s7], $0x6FFFF;
	_ =	strace $0x90000049  }
0xb3: {  	s29 =	simm.s32 $0x9;
	_ =	strace $0x8000004B  }
0xb4: {  	_ =	swait.ge [sflag:s29], $0x1  }
0xb5: {  	[sflag:s29] =	ssyncadd.s32 $0xFFFFFFFF  }
0xb6: {  	_ =	strace $0x9000004B  }
0xb7: {  	_ =	sfence  }
0xb8: {  	s30 =	sld [smem:$0x0];
	_ =	sdelay $0x2  }
0xb9: {  	s31 =	sshll.u32 s1, $0xD;
	s1 =	sshrl.u32 s1, $0x2  }
0xba: {  	s3 =	sand.u32 $0x4000, s31;
	s1 =	sadd.s32 s1, s30  }
0xbb: {  	s0 =	sor.u32 s3, s0;
	s1 =	sshll.u32 s1, $0x11  }
0xbc: {  	s0 =	sor.u32 s1, s0  }
0xbd: {  	s0 =	sadd.s32 $0x8F2B, s0  }
0xbe: {  	[sflag:s0] =	ssyncadd.remote.s32 $0x1  }
0xbf: {  	_ =	sfence.sel $0xFFFF  }
0xc0: {  	[dreg:$0x0] =	wrdreg $0xFFFFFFFF;
	(pc) =	sbr.abs _section_cstart, $3  }
0xc1: {  	[dreg:$0x1] =	wrdreg $0xFFFFFFFF  }
0xc2: {  	_ =	task.clear_ibuf [dreg:s7], $0x2FFFF;
	_ =	strace $0x9FFFFFFF  }
0xc3: {  	(tm) =	ssettm $0x7FFFFFFF  }
tec
execute0_lowered:
.L_overlay_start_1:
0x0: {  	(tag) =	ssettag $0x1  }
0x1: {  	s0 =	rddreg [dreg:$0x0]  }
0x2: {  	s1 =	srdreg.scid;
	s6 =	rddreg [dreg:$0x1]  }
0x3: {  	s3 =	rddreg [dreg:$0x2];
	s2 =	stileid.u32;
	s4 =	simm.s32 $0x0  }
0x4: {  	s14 =	simm.s32 $0x1A000;
	s7 =	sand.u32 $0x1, s1;
	s1 =	rddreg [dreg:$0x3]  }
0x5: {  	[smem:$0x7FF] =	sst s4;
	s12 =	smul.u32 $0x50000, s2;
	s31 =	sshll.u32 s2, $0x6  }
0x6: {  	s16 =	smul.u32 $0x2800, s2;
	s5 =	sshll.u32 s7, $0x4;
	_ =	strace $0x8000004A  }
0x7: {  	s8 =	smul.u32 $0x28000, s7;
	s9 =	ssub.s32 $0x2, s7;
	p0 =	seq.s32 s7, $0x0  }
0x8: {  	s7 =	sor.u32 $0x1C01, s31;
	s5 =	sor.u32 s2, s5;
	s11 =	sshrl.u32 s9, $0x1  }
0x9: {  	s30 =	sshrl.u32 s12, $0x2;
	s5 =	smul.u32 $0x600, s5;
	s13 =	sadd.s32 s8, s6  }
0xa: {  	s11 =	ssub.s32 s9, s11;
	s12 =	sadd.s32 s30, s3;
	s15 =	sadd.s32 $0x6A400, s13  }
0xb: {  	s13 =	simm.s32 $0x80;
	s10 =	sadd.s32 s5, s6;
	s5 =	sadd.s32 $0xE400, s6  }
0xc: {  	s6 =	simm.s32 $0x60;
	s15 =	sadd.s32 s16, s15;
	s16 =	simm.s32 $0x0  }
0xd: {  	s6 =	simm.s32 @!p0 $0x3D;
	s8 =	sadd.s32 $0x5E400, s10;
	s9 =	sadd.s32 $0x2400, s10  }
0xe: {  	s10 =	smax.u32 s11, $0x1;
	s11 =	sshrl.u32 s12, $0x3;
	s12 =	simm.s32 $0x1  }
.LBB2_1:
0xf: {  	[spmem:s11], [sflag:s7] =	dma.local [hbm:s5], $0x2800  }
0x10: {  	_ =	swait.ge [sflag:s12], $0x2800  }
0x11: {  	[sflag:s12] =	ssyncset.done $0x0  }
0x12: {  	s17 =	simm.s32 $0x14000;
	[sflag:s12] =	ssyncadd.s32 $0xFFFFD800  }
0x13: {  	[tilespmem:s17], [sflag:$0x1] =	stream.linear.gather [hbm4b:s8+s4], $0x3000, $0x38;
	[tilespmem:$0x1E000] =	vst v63  }
0x14: {  	_ =	swait.ge [sflag:s12], $0x3000  }
0x15: {  	[sflag:s12] =	ssyncset.done $0x0  }
0x16: {  	s18 =	simm.s32 $0x17000;
	[sflag:s12] =	ssyncadd.s32 $0xFFFFD000  }
0x17: {  	[tilespmem:s18], [sflag:$0x1] =	stream.linear.gather [hbm4b:s9+s4], $0x3000, $0x38;
	[tilespmem:$0x1E000] =	vst v63  }
0x18: {  	_ =	swait.ge [sflag:s12], $0x3000  }
0x19: {  	[sflag:s12] =	ssyncset.done $0x0  }
0x1a: {  	[sflag:s12] =	ssyncadd.s32 $0xFFFFD000  }
0x1b: {  	[bflag:$0x0] =	sbarrier.arrive $0xFFFF  }
0x1c: {  	[tilespmem:s14], [sflag:$0x1] =	stream.indirect.gather [hbm4b:s0+s13], $0x80, s17, s13, $0xb8;
	[tilespmem:$0x1E000] =	vst v63  }
0x1d: {  	p0 =	sne.s32 s6, $0x1;
	_ =	swait.ge [sflag:s12], $0x4000  }
.Ltmp0:
0x1e: {  	[sflag:s12] =	ssyncset.done $0x0;
	(pc) =	sbr.rel @!p0 .LBB2_3-.Ltmp0, $4  }
0x1f: {  	[sflag:s12] =	ssyncadd.s32 $0xFFFFC000  }
0x20: {  	[spmem:s3] =	stream.indirect.scatter.add.f32 [tilespmem:s14], [sflag:$0x1], $0x80, s18, s13, $0xb8;
	[tilespmem:$0x1E000] =	vst v63  }
0x21: {  	_ =	swait.ge [sflag:s12], $0x4000  }
0x22: {  	s19 =	sadd.s32 $0xFFFFFFFF, s6;
	[sflag:s12] =	ssyncset.done $0x0  }
.LBB2_2:
0x23: {  	[sflag:s12] =	ssyncadd.s32 $0xFFFFC000;
	s17 =	sadd.s32 $0x80, s17;
	s18 =	sadd.s32 $0x80, s18  }
0x24: {  	[tilespmem:s14], [sflag:$0x1] =	stream.indirect.gather [hbm4b:s0+s13], $0x80, s17, s13, $0xb8;
	[tilespmem:$0x1E000] =	vst v63  }
0x25: {  	p0 =	sne.s32 s19, $0x1;
	s19 =	sadd.s32 $0xFFFFFFFF, s19;
	_ =	swait.ge [sflag:s12], $0x4000  }
.Ltmp1:
0x26: {  	[sflag:s12] =	ssyncset.done $0x0;
	(pc) =	sbr.rel @p0 .LBB2_2-.Ltmp1, $4  }
0x27: {  	[sflag:s12] =	ssyncadd.s32 $0xFFFFC000  }
0x28: {  	[spmem:s3] =	stream.indirect.scatter.add.f32 [tilespmem:s14], [sflag:$0x1], $0x80, s18, s13, $0xb8;
	[tilespmem:$0x1E000] =	vst v63  }
0x29: {  	_ =	swait.ge [sflag:s12], $0x4000  }
0x2a: {  	[sflag:s12] =	ssyncset.done $0x0  }
.LBB2_3:
0x2b: {  	s16 =	sadd.s32 $0x1, s16  }
0x2c: {  	[sflag:s12] =	ssyncadd.s32 $0xFFFFC000;
	p0 =	sne.s32 s16, s10  }
.Ltmp2:
0x2d: {  	[bflag:$0x0] =	sbarrier.arrive $0xFFFF;
	(pc) =	sbr.rel @p0 .LBB2_1-.Ltmp2, $4  }
0x2e: {  	[hbm:s15], [sflag:s7] =	dma.local [spmem:s11], $0x2800  }
0x2f: {  	_ =	swait.ge [sflag:s12], $0x2800  }
0x30: {  	[sflag:s12] =	ssyncset.done $0x0  }
0x31: {  	[sflag:s12] =	ssyncadd.s32 $0xFFFFD800  }
0x32: {  	_ =	sfence.sel $0x180000  }
0x33: {  	[bflag:$0x0] =	sbarrier.arrive $0xFFFF  }
0x34: {  	p0 =	sne.s32 s2, $0x0;
	_ =	strace $0x9000004A  }
0x35: {  	s0 =	sadd.s32 @!p0 $0x100000, s1;
	[bflag:$0x2] =	sbarrier.arrive $0xFFFF  }
0x36: {  	[sflag:s0] =	ssyncadd.tile.s32 @!p0 $0x1;
	_ =	shalt  }
.Lfunc_end2:
_tile_overlayer_lowered:
.L_overlay_start_2:
0x37: {  	(tag) =	ssettag $0x2  }
0x38: {  	s0 =	rddreg [dreg:$0x0];
	s2 =	stileid.u32  }
0x39: {  	s1 =	rddreg [dreg:$0x1];
	p0 =	sne.s32 s2, $0x0  }
0x3a: {  	s3 =	rddreg [dreg:$0x2];
	[bflag:$0x3] =	sbarrier.arrive $0xFFFF;
	s2 =	simm.s32 @!p0 $0x1C01  }
0x3b: {  	[timem:s3], [sflag:s2] =	dma.local @!p0 [hbm:s0], s1  }
0x3c: {  	s0 =	simm.s32 @!p0 $0x1  }
0x3d: {  	_ =	swait.ge @!p0 [sflag:s0], s1  }
0x3e: {  	s1 =	ssub.s32 @!p0 $0x0, s1;
	[sflag:s0] =	ssyncset.done @!p0 $0x0  }
0x3f: {  	[sflag:s0] =	ssyncadd.s32 @!p0 s1  }
0x40: {  	[bflag:$0x3] =	sbarrier.arrive $0xFFFF  }
0x41: {  	_ =	shalt  }

// kernel: kernel.15.cloned.1.call-start
scs
__scs_entry_jumppad:
0x0: {  	(pc) =	sbr.rel $0x88, $3  }
0x1: {  	(tag) =	ssettag $0x0;
	lr =	simm.s32 $0x1  }
0x2: {  	[smem:$0x3F9B] =	sst lr;
	_ =	strace $0xD0000000  }
0x3: {  	_ = 	snop  }
0x4: {  	_ = 	snop  }
0x5: {  	_ = 	snop  }
0x6: {  	_ = 	snop  }
0x7: {  	_ = 	snop  }
__scs_overlays_trampoline_lowered:
0x8: {  	[smem:$0x3FAA] =	sst s0  }
0x9: {  	[smem:$0x3FAB] =	sst s1  }
0xa: {  	[smem:$0x3FAC] =	sst s2  }
0xb: {  	[smem:$0x3FAD] =	sst s3  }
0xc: {  	[smem:$0x3FAE] =	sst s4  }
0xd: {  	[smem:$0x3FAF] =	sst s5  }
0xe: {  	[smem:$0x3FB0] =	sst s6  }
0xf: {  	[smem:$0x3FB1] =	sst s7  }
0x10: {  	[smem:$0x3FB2] =	sst s8  }
0x11: {  	[smem:$0x3FB3] =	sst s9;
	s0 =	simm.s32 @!p0 $0x0  }
0x12: {  	s1 =	sld [smem:$0x3F99];
	s0 =	simm.s32 @p0 $0x1  }
0x13: {  	[smem:$0x3FB4] =	sst s0;
	s0 =	simm.s32 @!p1 $0x0  }
0x14: {  	s2 =	sld [smem:$0x3F98];
	s0 =	simm.s32 @p1 $0x1  }
0x15: {  	[smem:$0x3FB5] =	sst s0;
	s0 =	simm.s32 @!p2 $0x0  }
0x16: {  	s3 =	sld [smem:$0x3FDB];
	s0 =	simm.s32 @p2 $0x1  }
0x17: {  	s4 =	simm.s32 $0x1BF5;
	[smem:$0x3FB7] =	sst s0  }
0x18: {  	s0 =	sld [smem:$0x3F9A];
	_ =	swait.ge [sflag:s4], $0x0  }
0x19: {  	s7 =	sld [smem:$0x3F9B]  }
0x1a: {  	s8 =	sadd.s32 $0xFFFFE003, lr  }
0x1b: {  	s9 =	sadd.s32 $0xFFFFFEF7, lr;
	s5 =	simm.s32 $0xFFFFFFFF;
	p2 =	slt.u32 s8, $0xFFFFF086  }
0x1c: {  	p1 =	slt.u32 s9, $0xF7A;
	s5 =	simm.s32 @!p2 $0x0  }
0x1d: {  	s5 =	simm.s32 @p1 $0x1;
	p0 =	seq.s32 s7, s2  }
0x1e: {  	s7 =	smul.u32 @!p0 $0xF7A, s2;
	p2 =	seq.s32 @!p0 s5, $0x0  }
0x1f: {  	s9 =	smul.u32 $0xF7A, s1;
	s8 =	simm.s32 @!p0 $0x1BF5;
	p2 =	por !p2, p0  }
0x20: {  	[sflag:s8] =	ssyncset.s32 @!p0 $0xFFFFF086;
	s6 =	sadd.s32 @!p0 s3, s7;
	s7 =	simm.s32 @!p0 $0x108  }
0x21: {  	s3 =	sadd.s32 s3, s9;
	s6 =	sadd.s32 @!p0 $0x88, s6;
	s7 =	simm.s32 @p2 $0x1082  }
0x22: {  	[simem:s7], [sflag:s8] =	dma.local @!p0 [hbm:s6], $0xF7A  }
0x23: {  	s9 =	sor.u32 $0xD0000000, s2;
	s6 =	simm.s32 $0x108;
	_ =	swait.ge @!p0 [sflag:s8], $0x0  }
0x24: {  	s3 =	sadd.s32 $0x88, s3;
	s6 =	simm.s32 @!p1 $0x1082;
	[sflag:s4] =	ssyncset.s32 $0xFFFFF086  }
0x25: {  	[simem:s6], [sflag:s4] =	dma.local [hbm:s3], $0xF7A  }
0x26: {  	[smem:$0x3F9B] =	sst s1;
	(tag) =	ssettag s2;
	_ =	strace s9  }
0x27: {  	s1 =	sld [smem:$0x3FAB]  }
0x28: {  	s2 =	sld [smem:$0x3FAC]  }
0x29: {  	s4 =	sld [smem:$0x3FAE]  }
0x2a: {  	p0 =	seq.s32 s5, $0x0;
	s5 =	sld [smem:$0x3FAF]  }
0x2b: {  	s6 =	sld [smem:$0x3FB0]  }
0x2c: {  	s7 =	sld [smem:$0x3FB1]  }
0x2d: {  	s3 =	simm.s32 $0x108;
	s8 =	sld [smem:$0x3FB2]  }
0x2e: {  	s3 =	simm.s32 @!p0 $0x1082;
	s9 =	sld [smem:$0x3FB3]  }
0x2f: {  	lr =	sadd.s32 s0, s3;
	s0 =	sld [smem:$0x3FAA]  }
0x30: {  	s3 =	sld [smem:$0x3FAD]  }
0x31: {  	[smem:$0x3FB6] =	sst s10  }
0x32: {  	s10 =	sld [smem:$0x3FB4];
	_ =	sdelay $0x3  }
0x33: {  	p0 =	seq.s32 s10, $0x1;
	s10 =	sld [smem:$0x3FB6];
	_ =	sdelay $0x3  }
0x34: {  	[smem:$0x3FB6] =	sst s10  }
0x35: {  	s10 =	sld [smem:$0x3FB5];
	_ =	sdelay $0x3  }
0x36: {  	p1 =	seq.s32 s10, $0x1;
	s10 =	sld [smem:$0x3FB6];
	_ =	sdelay $0x3  }
0x37: {  	[smem:$0x3FB6] =	sst s10  }
0x38: {  	s10 =	sld [smem:$0x3FB7]  }
0x39: {  	_ = 	snop;
	(pc) =	sbr.ind lr, $3  }
0x3a: {  	_ = 	snop  }
0x3b: {  	_ = 	snop  }
0x3c: {  	p2 =	seq.s32 s10, $0x1;
	s10 =	sld [smem:$0x3FB6]  }
0x3d: {  	_ =	shalt  }
0x3e: {  	_ =	shalt  }
0x3f: {  	_ =	shalt  }
0x40: {  	_ =	shalt  }
0x41: {  	_ =	shalt  }
0x42: {  	_ =	shalt  }
0x43: {  	_ =	shalt  }
0x44: {  	_ =	shalt  }
0x45: {  	_ =	shalt  }
0x46: {  	_ =	shalt  }
0x47: {  	_ =	shalt  }
0x48: {  	_ =	shalt  }
0x49: {  	_ =	shalt  }
0x4a: {  	_ =	shalt  }
0x4b: {  	_ =	shalt  }
0x4c: {  	_ =	shalt  }
0x4d: {  	_ =	shalt  }
0x4e: {  	_ =	shalt  }
0x4f: {  	_ =	shalt  }
0x50: {  	_ =	shalt  }
0x51: {  	_ =	shalt  }
0x52: {  	_ =	shalt  }
0x53: {  	_ =	shalt  }
0x54: {  	_ =	shalt  }
0x55: {  	_ =	shalt  }
0x56: {  	_ =	shalt  }
0x57: {  	_ =	shalt  }
0x58: {  	_ =	shalt  }
0x59: {  	_ =	shalt  }
0x5a: {  	_ =	shalt  }
0x5b: {  	_ =	shalt  }
0x5c: {  	_ =	shalt  }
0x5d: {  	_ =	shalt  }
0x5e: {  	_ =	shalt  }
0x5f: {  	_ =	shalt  }
0x60: {  	_ =	shalt  }
0x61: {  	_ =	shalt  }
0x62: {  	_ =	shalt  }
0x63: {  	_ =	shalt  }
0x64: {  	_ =	shalt  }
0x65: {  	_ =	shalt  }
0x66: {  	_ =	shalt  }
0x67: {  	_ =	shalt  }
0x68: {  	_ =	shalt  }
0x69: {  	_ =	shalt  }
0x6a: {  	_ =	shalt  }
0x6b: {  	_ =	shalt  }
0x6c: {  	_ =	shalt  }
0x6d: {  	_ =	shalt  }
0x6e: {  	_ =	shalt  }
0x6f: {  	_ =	shalt  }
0x70: {  	_ =	shalt  }
0x71: {  	_ =	shalt  }
0x72: {  	_ =	shalt  }
0x73: {  	_ =	shalt  }
0x74: {  	_ =	shalt  }
0x75: {  	_ =	shalt  }
0x76: {  	_ =	shalt  }
0x77: {  	_ =	shalt  }
0x78: {  	_ =	shalt  }
0x79: {  	_ =	shalt  }
0x7a: {  	_ =	shalt  }
0x7b: {  	_ =	shalt  }
0x7c: {  	_ =	shalt  }
0x7d: {  	_ =	shalt  }
0x7e: {  	_ =	shalt  }
0x7f: {  	_ =	shalt  }
0x80: {  	_ =	shalt  }
0x81: {  	_ =	shalt  }
0x82: {  	_ =	shalt  }
0x83: {  	_ =	shalt  }
0x84: {  	_ =	shalt  }
0x85: {  	_ =	shalt  }
0x86: {  	_ =	shalt  }
0x87: {  	_ =	shalt  }
.Lfunc_end0:
.L_simem_size_0:
called_computation.2_lowered:
.L_overlay_start_0:
0x88: {  	s2 =	sld [smem:$0x3FD9]  }
0x89: {  	s3 =	sld [smem:$0x3FFE];
	_ =	sdelay $0x1  }
0x8a: {  	s1 =	srdreg.scid  }
0x8b: {  	s0 =	sand.u32 $0x1, s1  }
0x8c: {  	s17 =	sshll.u32 s0, $0xA;
	s2 =	sadd.s32 s3, s2  }
0x8d: {  	s2 =	sadd.s32 s2, s17  }
0x8e: {  	[smem:$0x3FC2] =	sst s2  }
0x8f: {  	_ = 	snop  }
0x90: {  	s2 =	sld [smem:$0x3FD0];
	(tm) =	ssettm $0x1  }
0x91: {  	s18 =	sld [smem:$0x3FFB];
	_ =	sdelay $0x3  }
0x92: {  	_ =	strace s18  }
0x93: {  	s3 =	sld [smem:$0x3FFC];
	_ =	sdelay $0x3  }
0x94: {  	_ =	strace s3  }
0x95: {  	s3 =	sld [smem:$0x3FFD];
	_ =	sdelay $0x3  }
0x96: {  	_ =	strace s3  }
0x97: {  	_ =	strace $0x8FFFFFFF  }
0x98: {  	s19 =	sld [smem:$0x3FDB];
	_ =	sdelay $0x1  }
0x99: {  	s4 =	simm.s32 $_scs_section_size  }
0x9a: {  	s5 =	simm.s32 $_size__tile_overlayer_lowered;
	s6 =	simm.s32 $_tile_overlayer_lowered  }
0x9b: {  	s22 =	simm.s32 $0x1BFF;
	s21 =	sshll.u32 s6, $0x1;
	s3 =	sadd.s32 s4, s19  }
0x9c: {  	s7 =	simm.s32 $0x0;
	s20 =	sshll.u32 s5, $0x1;
	s5 =	sadd.s32 s21, s3  }
0x9d: {  	[timem:s7], [sflag:s22] =	dma.local [hbm:s5], s20  }
0x9e: {  	_ =	swait.ge [sflag:s22], s20  }
0x9f: {  	s4 =	ssub.s32 $0x0, s20;
	[sflag:s22] =	ssyncset.done $0x0  }
0xa0: {  	[sflag:s22] =	ssyncadd.s32 s4;
	_ =	sdelay $0x1  }
0xa1: {  	s23 =	simm.s32 $0x1B8B  }
0xa2: {  	_ =	swait.ge [sflag:s23], $0x1  }
0xa3: {  	[sflag:s23] =	ssyncset.done $0x0  }
0xa4: {  	s25 =	simm.s32 $0x1B8E;
	s24 =	sld [smem:$0x3FFE];
	[sflag:s23] =	ssyncadd.s32 $0xFFFFFFFF  }
0xa5: {  	s26 =	simm.s32 $execute0_lowered;
	[smem:$0x3FD2] =	sst s25  }
0xa6: {  	s5 =	sshll.u32 s26, $0x1;
	_ =	strace $0x8000004C;
	[dreg:$0x1] =	wrdreg $0xFFFFFFFF  }
0xa7: {  	s28 =	simm.s32 $_size_execute0_lowered;
	s3 =	sadd.s32 s3, s5;
	[dreg:$0x0] =	wrdreg $0x0  }
0xa8: {  	s5 =	sshll.u32 s28, $0x1;
	[dreg:$0x2] =	wrdreg s3  }
0xa9: {  	[dreg:$0x3] =	wrdreg s5  }
0xaa: {  	[dreg:$0x4] =	wrdreg $0xC0  }
0xab: {  	_ =	task [dreg:s7], $0x5FFFF  }
0xac: {  	[dreg:$0x1] =	wrdreg $0xFFFFFFFF  }
0xad: {  	[dreg:$0x0] =	wrdreg $0x60  }
0xae: {  	[dreg:$0x2] =	wrdreg s2  }
0xaf: {  	[dreg:$0x3] =	wrdreg s24  }
0xb0: {  	[dreg:$0x4] =	wrdreg $0x0  }
0xb1: {  	[dreg:$0x5] =	wrdreg $0x9  }
0xb2: {  	_ =	task.clear_ibuf [dreg:s7], $0x6FFFF;
	_ =	strace $0x9000004C  }
0xb3: {  	s29 =	simm.s32 $0x9;
	_ =	strace $0x8000004E  }
0xb4: {  	_ =	swait.ge [sflag:s29], $0x1  }
0xb5: {  	[sflag:s29] =	ssyncadd.s32 $0xFFFFFFFF  }
0xb6: {  	_ =	strace $0x9000004E  }
0xb7: {  	_ =	sfence  }
0xb8: {  	s30 =	sld [smem:$0x0];
	_ =	sdelay $0x2  }
0xb9: {  	s31 =	sshll.u32 s1, $0xD;
	s1 =	sshrl.u32 s1, $0x2  }
0xba: {  	s3 =	sand.u32 $0x4000, s31;
	s1 =	sadd.s32 s1, s30  }
0xbb: {  	s0 =	sor.u32 s3, s0;
	s1 =	sshll.u32 s1, $0x11  }
0xbc: {  	s0 =	sor.u32 s1, s0  }
0xbd: {  	s0 =	sadd.s32 $0x8F2B, s0  }
0xbe: {  	[sflag:s0] =	ssyncadd.remote.s32 $0x1  }
0xbf: {  	_ =	sfence.sel $0xFFFF  }
0xc0: {  	[dreg:$0x0] =	wrdreg $0xFFFFFFFF;
	(pc) =	sbr.abs _section_cstart, $3  }
0xc1: {  	[dreg:$0x1] =	wrdreg $0xFFFFFFFF  }
0xc2: {  	_ =	task.clear_ibuf [dreg:s7], $0x2FFFF;
	_ =	strace $0x9FFFFFFF  }
0xc3: {  	(tm) =	ssettm $0x7FFFFFFF  }
tec
execute0_lowered:
.L_overlay_start_1:
0x0: {  	(tag) =	ssettag $0x1  }
0x1: {  	s0 =	rddreg [dreg:$0x0]  }
0x2: {  	s1 =	srdreg.scid;
	s6 =	rddreg [dreg:$0x1]  }
0x3: {  	s3 =	rddreg [dreg:$0x2];
	s2 =	stileid.u32;
	s4 =	simm.s32 $0x0  }
0x4: {  	s14 =	simm.s32 $0x1A000;
	s7 =	sand.u32 $0x1, s1;
	s1 =	rddreg [dreg:$0x3]  }
0x5: {  	[smem:$0x7FF] =	sst s4;
	s12 =	smul.u32 $0x50000, s2;
	s31 =	sshll.u32 s2, $0x6  }
0x6: {  	s16 =	smul.u32 $0x2800, s2;
	s5 =	sshll.u32 s7, $0x4;
	_ =	strace $0x8000004D  }
0x7: {  	s8 =	smul.u32 $0x28000, s7;
	s9 =	ssub.s32 $0x2, s7;
	p0 =	seq.s32 s7, $0x0  }
0x8: {  	s7 =	sor.u32 $0x1C01, s31;
	s5 =	sor.u32 s2, s5;
	s11 =	sshrl.u32 s9, $0x1  }
0x9: {  	s30 =	sshrl.u32 s12, $0x2;
	s5 =	smul.u32 $0x600, s5;
	s13 =	sadd.s32 s8, s6  }
0xa: {  	s11 =	ssub.s32 s9, s11;
	s12 =	sadd.s32 s30, s3;
	s15 =	sadd.s32 $0x6A400, s13  }
0xb: {  	s13 =	simm.s32 $0x80;
	s10 =	sadd.s32 s5, s6;
	s5 =	sadd.s32 $0xE400, s6  }
0xc: {  	s6 =	simm.s32 $0x60;
	s15 =	sadd.s32 s16, s15;
	s16 =	simm.s32 $0x0  }
0xd: {  	s6 =	simm.s32 @!p0 $0x3D;
	s8 =	sadd.s32 $0x5E400, s10;
	s9 =	sadd.s32 $0x2400, s10  }
0xe: {  	s10 =	smax.u32 s11, $0x1;
	s11 =	sshrl.u32 s12, $0x3;
	s12 =	simm.s32 $0x1  }
.LBB2_1:
0xf: {  	[spmem:s11], [sflag:s7] =	dma.local [hbm:s5], $0x2800  }
0x10: {  	_ =	swait.ge [sflag:s12], $0x2800  }
0x11: {  	[sflag:s12] =	ssyncset.done $0x0  }
0x12: {  	s17 =	simm.s32 $0x14000;
	[sflag:s12] =	ssyncadd.s32 $0xFFFFD800  }
0x13: {  	[tilespmem:s17], [sflag:$0x1] =	stream.linear.gather [hbm4b:s8+s4], $0x3000, $0x38;
	[tilespmem:$0x1E000] =	vst v63  }
0x14: {  	_ =	swait.ge [sflag:s12], $0x3000  }
0x15: {  	[sflag:s12] =	ssyncset.done $0x0  }
0x16: {  	s18 =	simm.s32 $0x17000;
	[sflag:s12] =	ssyncadd.s32 $0xFFFFD000  }
0x17: {  	[tilespmem:s18], [sflag:$0x1] =	stream.linear.gather [hbm4b:s9+s4], $0x3000, $0x38;
	[tilespmem:$0x1E000] =	vst v63  }
0x18: {  	_ =	swait.ge [sflag:s12], $0x3000  }
0x19: {  	[sflag:s12] =	ssyncset.done $0x0  }
0x1a: {  	[sflag:s12] =	ssyncadd.s32 $0xFFFFD000  }
0x1b: {  	[bflag:$0x0] =	sbarrier.arrive $0xFFFF  }
0x1c: {  	[tilespmem:s14], [sflag:$0x1] =	stream.indirect.gather [hbm4b:s0+s13], $0x80, s17, s13, $0xb8;
	[tilespmem:$0x1E000] =	vst v63  }
0x1d: {  	p0 =	sne.s32 s6, $0x1;
	_ =	swait.ge [sflag:s12], $0x4000  }
.Ltmp0:
0x1e: {  	[sflag:s12] =	ssyncset.done $0x0;
	(pc) =	sbr.rel @!p0 .LBB2_3-.Ltmp0, $4  }
0x1f: {  	[sflag:s12] =	ssyncadd.s32 $0xFFFFC000  }
0x20: {  	[spmem:s3] =	stream.indirect.scatter.add.f32 [tilespmem:s14], [sflag:$0x1], $0x80, s18, s13, $0xb8;
	[tilespmem:$0x1E000] =	vst v63  }
0x21: {  	_ =	swait.ge [sflag:s12], $0x4000  }
0x22: {  	s19 =	sadd.s32 $0xFFFFFFFF, s6;
	[sflag:s12] =	ssyncset.done $0x0  }
.LBB2_2:
0x23: {  	[sflag:s12] =	ssyncadd.s32 $0xFFFFC000;
	s17 =	sadd.s32 $0x80, s17;
	s18 =	sadd.s32 $0x80, s18  }
0x24: {  	[tilespmem:s14], [sflag:$0x1] =	stream.indirect.gather [hbm4b:s0+s13], $0x80, s17, s13, $0xb8;
	[tilespmem:$0x1E000] =	vst v63  }
0x25: {  	p0 =	sne.s32 s19, $0x1;
	s19 =	sadd.s32 $0xFFFFFFFF, s19;
	_ =	swait.ge [sflag:s12], $0x4000  }
.Ltmp1:
0x26: {  	[sflag:s12] =	ssyncset.done $0x0;
	(pc) =	sbr.rel @p0 .LBB2_2-.Ltmp1, $4  }
0x27: {  	[sflag:s12] =	ssyncadd.s32 $0xFFFFC000  }
0x28: {  	[spmem:s3] =	stream.indirect.scatter.add.f32 [tilespmem:s14], [sflag:$0x1], $0x80, s18, s13, $0xb8;
	[tilespmem:$0x1E000] =	vst v63  }
0x29: {  	_ =	swait.ge [sflag:s12], $0x4000  }
0x2a: {  	[sflag:s12] =	ssyncset.done $0x0  }
.LBB2_3:
0x2b: {  	s16 =	sadd.s32 $0x1, s16  }
0x2c: {  	[sflag:s12] =	ssyncadd.s32 $0xFFFFC000;
	p0 =	sne.s32 s16, s10  }
.Ltmp2:
0x2d: {  	[bflag:$0x0] =	sbarrier.arrive $0xFFFF;
	(pc) =	sbr.rel @p0 .LBB2_1-.Ltmp2, $4  }
0x2e: {  	[hbm:s15], [sflag:s7] =	dma.local [spmem:s11], $0x2800  }
0x2f: {  	_ =	swait.ge [sflag:s12], $0x2800  }
0x30: {  	[sflag:s12] =	ssyncset.done $0x0  }
0x31: {  	[sflag:s12] =	ssyncadd.s32 $0xFFFFD800  }
0x32: {  	_ =	sfence.sel $0x180000  }
0x33: {  	[bflag:$0x0] =	sbarrier.arrive $0xFFFF  }
0x34: {  	p0 =	sne.s32 s2, $0x0;
	_ =	strace $0x9000004D  }
0x35: {  	s0 =	sadd.s32 @!p0 $0x100000, s1;
	[bflag:$0x2] =	sbarrier.arrive $0xFFFF  }
0x36: {  	[sflag:s0] =	ssyncadd.tile.s32 @!p0 $0x1;
	_ =	shalt  }
.Lfunc_end2:
_tile_overlayer_lowered:
.L_overlay_start_2:
0x37: {  	(tag) =	ssettag $0x2  }
0x38: {  	s0 =	rddreg [dreg:$0x0];
	s2 =	stileid.u32  }
0x39: {  	s1 =	rddreg [dreg:$0x1];
	p0 =	sne.s32 s2, $0x0  }
0x3a: {  	s3 =	rddreg [dreg:$0x2];
	[bflag:$0x3] =	sbarrier.arrive $0xFFFF;
	s2 =	simm.s32 @!p0 $0x1C01  }
0x3b: {  	[timem:s3], [sflag:s2] =	dma.local @!p0 [hbm:s0], s1  }
0x3c: {  	s0 =	simm.s32 @!p0 $0x1  }
0x3d: {  	_ =	swait.ge @!p0 [sflag:s0], s1  }
0x3e: {  	s1 =	ssub.s32 @!p0 $0x0, s1;
	[sflag:s0] =	ssyncset.done @!p0 $0x0  }
0x3f: {  	[sflag:s0] =	ssyncadd.s32 @!p0 s1  }
0x40: {  	[bflag:$0x3] =	sbarrier.arrive $0xFFFF  }
0x41: {  	_ =	shalt  }

// kernel: kernel.9.cloned.1.call-start
scs
__scs_entry_jumppad:
0x0: {  	(pc) =	sbr.rel $0x88, $3  }
0x1: {  	(tag) =	ssettag $0x0;
	lr =	simm.s32 $0x1  }
0x2: {  	[smem:$0x3F9B] =	sst lr;
	_ =	strace $0xD0000000  }
0x3: {  	_ = 	snop  }
0x4: {  	_ = 	snop  }
0x5: {  	_ = 	snop  }
0x6: {  	_ = 	snop  }
0x7: {  	_ = 	snop  }
__scs_overlays_trampoline_lowered:
0x8: {  	[smem:$0x3FAA] =	sst s0  }
0x9: {  	[smem:$0x3FAB] =	sst s1  }
0xa: {  	[smem:$0x3FAC] =	sst s2  }
0xb: {  	[smem:$0x3FAD] =	sst s3  }
0xc: {  	[smem:$0x3FAE] =	sst s4  }
0xd: {  	[smem:$0x3FAF] =	sst s5  }
0xe: {  	[smem:$0x3FB0] =	sst s6  }
0xf: {  	[smem:$0x3FB1] =	sst s7  }
0x10: {  	[smem:$0x3FB2] =	sst s8  }
0x11: {  	[smem:$0x3FB3] =	sst s9;
	s0 =	simm.s32 @!p0 $0x0  }
0x12: {  	s1 =	sld [smem:$0x3F99];
	s0 =	simm.s32 @p0 $0x1  }
0x13: {  	[smem:$0x3FB4] =	sst s0;
	s0 =	simm.s32 @!p1 $0x0  }
0x14: {  	s2 =	sld [smem:$0x3F98];
	s0 =	simm.s32 @p1 $0x1  }
0x15: {  	[smem:$0x3FB5] =	sst s0;
	s0 =	simm.s32 @!p2 $0x0  }
0x16: {  	s3 =	sld [smem:$0x3FDB];
	s0 =	simm.s32 @p2 $0x1  }
0x17: {  	s4 =	simm.s32 $0x1BF5;
	[smem:$0x3FB7] =	sst s0  }
0x18: {  	s0 =	sld [smem:$0x3F9A];
	_ =	swait.ge [sflag:s4], $0x0  }
0x19: {  	s7 =	sld [smem:$0x3F9B]  }
0x1a: {  	s8 =	sadd.s32 $0xFFFFE003, lr  }
0x1b: {  	s9 =	sadd.s32 $0xFFFFFEF7, lr;
	s5 =	simm.s32 $0xFFFFFFFF;
	p2 =	slt.u32 s8, $0xFFFFF086  }
0x1c: {  	p1 =	slt.u32 s9, $0xF7A;
	s5 =	simm.s32 @!p2 $0x0  }
0x1d: {  	s5 =	simm.s32 @p1 $0x1;
	p0 =	seq.s32 s7, s2  }
0x1e: {  	s7 =	smul.u32 @!p0 $0xF7A, s2;
	p2 =	seq.s32 @!p0 s5, $0x0  }
0x1f: {  	s9 =	smul.u32 $0xF7A, s1;
	s8 =	simm.s32 @!p0 $0x1BF5;
	p2 =	por !p2, p0  }
0x20: {  	[sflag:s8] =	ssyncset.s32 @!p0 $0xFFFFF086;
	s6 =	sadd.s32 @!p0 s3, s7;
	s7 =	simm.s32 @!p0 $0x108  }
0x21: {  	s3 =	sadd.s32 s3, s9;
	s6 =	sadd.s32 @!p0 $0x88, s6;
	s7 =	simm.s32 @p2 $0x1082  }
0x22: {  	[simem:s7], [sflag:s8] =	dma.local @!p0 [hbm:s6], $0xF7A  }
0x23: {  	s9 =	sor.u32 $0xD0000000, s2;
	s6 =	simm.s32 $0x108;
	_ =	swait.ge @!p0 [sflag:s8], $0x0  }
0x24: {  	s3 =	sadd.s32 $0x88, s3;
	s6 =	simm.s32 @!p1 $0x1082;
	[sflag:s4] =	ssyncset.s32 $0xFFFFF086  }
0x25: {  	[simem:s6], [sflag:s4] =	dma.local [hbm:s3], $0xF7A  }
0x26: {  	[smem:$0x3F9B] =	sst s1;
	(tag) =	ssettag s2;
	_ =	strace s9  }
0x27: {  	s1 =	sld [smem:$0x3FAB]  }
0x28: {  	s2 =	sld [smem:$0x3FAC]  }
0x29: {  	s4 =	sld [smem:$0x3FAE]  }
0x2a: {  	p0 =	seq.s32 s5, $0x0;
	s5 =	sld [smem:$0x3FAF]  }
0x2b: {  	s6 =	sld [smem:$0x3FB0]  }
0x2c: {  	s7 =	sld [smem:$0x3FB1]  }
0x2d: {  	s3 =	simm.s32 $0x108;
	s8 =	sld [smem:$0x3FB2]  }
0x2e: {  	s3 =	simm.s32 @!p0 $0x1082;
	s9 =	sld [smem:$0x3FB3]  }
0x2f: {  	lr =	sadd.s32 s0, s3;
	s0 =	sld [smem:$0x3FAA]  }
0x30: {  	s3 =	sld [smem:$0x3FAD]  }
0x31: {  	[smem:$0x3FB6] =	sst s10  }
0x32: {  	s10 =	sld [smem:$0x3FB4];
	_ =	sdelay $0x3  }
0x33: {  	p0 =	seq.s32 s10, $0x1;
	s10 =	sld [smem:$0x3FB6];
	_ =	sdelay $0x3  }
0x34: {  	[smem:$0x3FB6] =	sst s10  }
0x35: {  	s10 =	sld [smem:$0x3FB5];
	_ =	sdelay $0x3  }
0x36: {  	p1 =	seq.s32 s10, $0x1;
	s10 =	sld [smem:$0x3FB6];
	_ =	sdelay $0x3  }
0x37: {  	[smem:$0x3FB6] =	sst s10  }
0x38: {  	s10 =	sld [smem:$0x3FB7]  }
0x39: {  	_ = 	snop;
	(pc) =	sbr.ind lr, $3  }
0x3a: {  	_ = 	snop  }
0x3b: {  	_ = 	snop  }
0x3c: {  	p2 =	seq.s32 s10, $0x1;
	s10 =	sld [smem:$0x3FB6]  }
0x3d: {  	_ =	shalt  }
0x3e: {  	_ =	shalt  }
0x3f: {  	_ =	shalt  }
0x40: {  	_ =	shalt  }
0x41: {  	_ =	shalt  }
0x42: {  	_ =	shalt  }
0x43: {  	_ =	shalt  }
0x44: {  	_ =	shalt  }
0x45: {  	_ =	shalt  }
0x46: {  	_ =	shalt  }
0x47: {  	_ =	shalt  }
0x48: {  	_ =	shalt  }
0x49: {  	_ =	shalt  }
0x4a: {  	_ =	shalt  }
0x4b: {  	_ =	shalt  }
0x4c: {  	_ =	shalt  }
0x4d: {  	_ =	shalt  }
0x4e: {  	_ =	shalt  }
0x4f: {  	_ =	shalt  }
0x50: {  	_ =	shalt  }
0x51: {  	_ =	shalt  }
0x52: {  	_ =	shalt  }
0x53: {  	_ =	shalt  }
0x54: {  	_ =	shalt  }
0x55: {  	_ =	shalt  }
0x56: {  	_ =	shalt  }
0x57: {  	_ =	shalt  }
0x58: {  	_ =	shalt  }
0x59: {  	_ =	shalt  }
0x5a: {  	_ =	shalt  }
0x5b: {  	_ =	shalt  }
0x5c: {  	_ =	shalt  }
0x5d: {  	_ =	shalt  }
0x5e: {  	_ =	shalt  }
0x5f: {  	_ =	shalt  }
0x60: {  	_ =	shalt  }
0x61: {  	_ =	shalt  }
0x62: {  	_ =	shalt  }
0x63: {  	_ =	shalt  }
0x64: {  	_ =	shalt  }
0x65: {  	_ =	shalt  }
0x66: {  	_ =	shalt  }
0x67: {  	_ =	shalt  }
0x68: {  	_ =	shalt  }
0x69: {  	_ =	shalt  }
0x6a: {  	_ =	shalt  }
0x6b: {  	_ =	shalt  }
0x6c: {  	_ =	shalt  }
0x6d: {  	_ =	shalt  }
0x6e: {  	_ =	shalt  }
0x6f: {  	_ =	shalt  }
0x70: {  	_ =	shalt  }
0x71: {  	_ =	shalt  }
0x72: {  	_ =	shalt  }
0x73: {  	_ =	shalt  }
0x74: {  	_ =	shalt  }
0x75: {  	_ =	shalt  }
0x76: {  	_ =	shalt  }
0x77: {  	_ =	shalt  }
0x78: {  	_ =	shalt  }
0x79: {  	_ =	shalt  }
0x7a: {  	_ =	shalt  }
0x7b: {  	_ =	shalt  }
0x7c: {  	_ =	shalt  }
0x7d: {  	_ =	shalt  }
0x7e: {  	_ =	shalt  }
0x7f: {  	_ =	shalt  }
0x80: {  	_ =	shalt  }
0x81: {  	_ =	shalt  }
0x82: {  	_ =	shalt  }
0x83: {  	_ =	shalt  }
0x84: {  	_ =	shalt  }
0x85: {  	_ =	shalt  }
0x86: {  	_ =	shalt  }
0x87: {  	_ =	shalt  }
.Lfunc_end0:
.L_simem_size_0:
called_computation_lowered:
.L_overlay_start_0:
0x88: {  	s2 =	sld [smem:$0x3FD9]  }
0x89: {  	s3 =	sld [smem:$0x3FFE];
	_ =	sdelay $0x1  }
0x8a: {  	s1 =	srdreg.scid  }
0x8b: {  	s0 =	sand.u32 $0x1, s1  }
0x8c: {  	s17 =	sshll.u32 s0, $0xA;
	s2 =	sadd.s32 s3, s2  }
0x8d: {  	s2 =	sadd.s32 s2, s17  }
0x8e: {  	[smem:$0x3FC2] =	sst s2  }
0x8f: {  	_ = 	snop  }
0x90: {  	s2 =	sld [smem:$0x3FD0];
	(tm) =	ssettm $0x1  }
0x91: {  	s18 =	sld [smem:$0x3FFB];
	_ =	sdelay $0x3  }
0x92: {  	_ =	strace s18  }
0x93: {  	s3 =	sld [smem:$0x3FFC];
	_ =	sdelay $0x3  }
0x94: {  	_ =	strace s3  }
0x95: {  	s3 =	sld [smem:$0x3FFD];
	_ =	sdelay $0x3  }
0x96: {  	_ =	strace s3  }
0x97: {  	_ =	strace $0x8FFFFFFF  }
0x98: {  	s19 =	sld [smem:$0x3FDB];
	_ =	sdelay $0x1  }
0x99: {  	s4 =	simm.s32 $_scs_section_size  }
0x9a: {  	s5 =	simm.s32 $_size__tile_overlayer_lowered;
	s6 =	simm.s32 $_tile_overlayer_lowered  }
0x9b: {  	s22 =	simm.s32 $0x1BFF;
	s21 =	sshll.u32 s6, $0x1;
	s3 =	sadd.s32 s4, s19  }
0x9c: {  	s7 =	simm.s32 $0x0;
	s20 =	sshll.u32 s5, $0x1;
	s5 =	sadd.s32 s21, s3  }
0x9d: {  	[timem:s7], [sflag:s22] =	dma.local [hbm:s5], s20  }
0x9e: {  	_ =	swait.ge [sflag:s22], s20  }
0x9f: {  	s4 =	ssub.s32 $0x0, s20;
	[sflag:s22] =	ssyncset.done $0x0  }
0xa0: {  	[sflag:s22] =	ssyncadd.s32 s4;
	_ =	sdelay $0x1  }
0xa1: {  	s23 =	simm.s32 $0x1B8B  }
0xa2: {  	_ =	swait.ge [sflag:s23], $0x1  }
0xa3: {  	[sflag:s23] =	ssyncset.done $0x0  }
0xa4: {  	s25 =	simm.s32 $0x1B8E;
	s24 =	sld [smem:$0x3FFE];
	[sflag:s23] =	ssyncadd.s32 $0xFFFFFFFF  }
0xa5: {  	s26 =	simm.s32 $execute0_lowered;
	[smem:$0x3FD2] =	sst s25  }
0xa6: {  	s5 =	sshll.u32 s26, $0x1;
	_ =	strace $0x80000046;
	[dreg:$0x1] =	wrdreg $0xFFFFFFFF  }
0xa7: {  	s28 =	simm.s32 $_size_execute0_lowered;
	s3 =	sadd.s32 s3, s5;
	[dreg:$0x0] =	wrdreg $0x0  }
0xa8: {  	s5 =	sshll.u32 s28, $0x1;
	[dreg:$0x2] =	wrdreg s3  }
0xa9: {  	[dreg:$0x3] =	wrdreg s5  }
0xaa: {  	[dreg:$0x4] =	wrdreg $0xC0  }
0xab: {  	_ =	task [dreg:s7], $0x5FFFF  }
0xac: {  	[dreg:$0x1] =	wrdreg $0xFFFFFFFF  }
0xad: {  	[dreg:$0x0] =	wrdreg $0x60  }
0xae: {  	[dreg:$0x2] =	wrdreg s24  }
0xaf: {  	[dreg:$0x3] =	wrdreg s2  }
0xb0: {  	[dreg:$0x4] =	wrdreg $0x9  }
0xb1: {  	_ =	task.clear_ibuf [dreg:s7], $0x5FFFF;
	_ =	strace $0x90000046  }
0xb2: {  	s29 =	simm.s32 $0x9;
	_ =	strace $0x80000048  }
0xb3: {  	_ =	swait.ge [sflag:s29], $0x1  }
0xb4: {  	[sflag:s29] =	ssyncadd.s32 $0xFFFFFFFF  }
0xb5: {  	_ =	strace $0x90000048  }
0xb6: {  	_ =	sfence  }
0xb7: {  	s30 =	sld [smem:$0x0];
	_ =	sdelay $0x2  }
0xb8: {  	s31 =	sshll.u32 s1, $0xD;
	s1 =	sshrl.u32 s1, $0x2  }
0xb9: {  	s3 =	sand.u32 $0x4000, s31;
	s1 =	sadd.s32 s1, s30  }
0xba: {  	s0 =	sor.u32 s3, s0;
	s1 =	sshll.u32 s1, $0x11  }
0xbb: {  	s0 =	sor.u32 s1, s0  }
0xbc: {  	s0 =	sadd.s32 $0x8F2B, s0  }
0xbd: {  	[sflag:s0] =	ssyncadd.remote.s32 $0x1  }
0xbe: {  	_ =	sfence.sel $0xFFFF  }
0xbf: {  	[dreg:$0x0] =	wrdreg $0xFFFFFFFF;
	(pc) =	sbr.abs _section_cstart, $3  }
0xc0: {  	[dreg:$0x1] =	wrdreg $0xFFFFFFFF  }
0xc1: {  	_ =	task.clear_ibuf [dreg:s7], $0x2FFFF;
	_ =	strace $0x9FFFFFFF  }
0xc2: {  	(tm) =	ssettm $0x7FFFFFFF  }
0xc3: {  	_ =	shalt  }
tec
execute0_lowered:
.L_overlay_start_1:
0x0: {  	(tag) =	ssettag $0x1  }
0x1: {  	s0 =	srdreg.scid  }
0x2: {  	s5 =	rddreg [dreg:$0x0];
	s4 =	sand.u32 $0x1, s0  }
0x3: {  	s2 =	rddreg [dreg:$0x1];
	s0 =	stileid.u32;
	s1 =	sshll.u32 s4, $0x4  }
0x4: {  	s3 =	simm.s32 $0x0;
	s9 =	simm.s32 $0x0;
	s6 =	sor.u32 s0, s1  }
0x5: {  	[smem:$0x7FF] =	sst s3;
	s4 =	ssub.s32 $0x2, s4;
	s7 =	smul.u32 $0x600, s6  }
0x6: {  	s1 =	rddreg [dreg:$0x2];
	s8 =	sshrl.u32 s4, $0x1;
	s6 =	smul.u32 $0x2800, s6  }
0x7: {  	_ =	strace $0x80000047;
	s31 =	ssub.s32 s4, s8;
	s8 =	simm.s32 $0x1  }
0x8: {  	s7 =	sadd.s32 s7, s5;
	s5 =	sadd.s32 s6, s5;
	s6 =	smax.u32 s31, $0x1  }
0x9: {  	v0 =	vimm.f32 $1.000000000e+00;
	s4 =	sadd.s32 $0x2400, s7;
	s5 =	sadd.s32 $0xE400, s5;
	s7 =	simm.s32 $0x3000  }
.LBB2_1:
0xa: {  	[tilespmem:s7], [sflag:$0x1] =	stream.linear.gather [hbm4b:s2+s3], $0x14000, $0x38;
	[tilespmem:$0x17000] =	vst v63  }
0xb: {  	_ =	swait.ge [sflag:s8], $0x14000  }
0xc: {  	[sflag:s8] =	ssyncset.done $0x0  }
0xd: {  	[sflag:s8] =	ssyncadd.s32 $0xFFFEC000  }
0xe: {  	[tilespmem:s3], [sflag:$0x1] =	stream.linear.gather [hbm4b:s4+s3], $0x3000, $0x38;
	[tilespmem:$0x17000] =	vst v63  }
0xf: {  	_ =	swait.ge [sflag:s8], $0x3000  }
0x10: {  	[sflag:s8] =	ssyncset.done $0x0  }
0x11: {  	s10 =	simm.s32 $0x1C0;
	[sflag:s8] =	ssyncadd.s32 $0xFFFFD000  }
.LBB2_2:
0x12: {  	s11 =	sshra.s32 s10, $0x2  }
0x13: {  	v1 =	vld [tilespmem:s11+$0xFFFFFF90];
	_ =	sdelay $0x4  }
0x14: {  	v2 =	vshll.u32 v1, $0x3  }
0x15: {  	v1 =	vand.u32 $0xF, v1;
	v2 =	vand.u32 $0xFFFFFF80, v2  }
0x16: {  	v1 =	vor.u32 v1, v2;
	_ =	sdelay $0x4  }
0x17: {  	[tilespmem:v1+s7+$0x0] =	vst.idx.add.f32.msk $0xffff, v0  }
0x18: {  	v1 =	vld [tilespmem:s11+$0xFFFFFFA0];
	_ =	sdelay $0x4  }
0x19: {  	v2 =	vshll.u32 v1, $0x3  }
0x1a: {  	v1 =	vand.u32 $0xF, v1;
	v2 =	vand.u32 $0xFFFFFF80, v2  }
0x1b: {  	v1 =	vor.u32 v1, v2;
	_ =	sdelay $0x4  }
0x1c: {  	[tilespmem:v1+s7+$0x0] =	vst.idx.add.f32.msk $0xffff, v0  }
0x1d: {  	v1 =	vld [tilespmem:s11+$0xFFFFFFB0];
	_ =	sdelay $0x4  }
0x1e: {  	v2 =	vshll.u32 v1, $0x3  }
0x1f: {  	v1 =	vand.u32 $0xF, v1;
	v2 =	vand.u32 $0xFFFFFF80, v2  }
0x20: {  	v1 =	vor.u32 v1, v2;
	_ =	sdelay $0x4  }
0x21: {  	[tilespmem:v1+s7+$0x0] =	vst.idx.add.f32.msk $0xffff, v0  }
0x22: {  	v1 =	vld [tilespmem:s11+$0xFFFFFFC0];
	_ =	sdelay $0x4  }
0x23: {  	v2 =	vshll.u32 v1, $0x3  }
0x24: {  	v1 =	vand.u32 $0xF, v1;
	v2 =	vand.u32 $0xFFFFFF80, v2  }
0x25: {  	v1 =	vor.u32 v1, v2;
	_ =	sdelay $0x4  }
0x26: {  	[tilespmem:v1+s7+$0x0] =	vst.idx.add.f32.msk $0xffff, v0  }
0x27: {  	v1 =	vld [tilespmem:s11+$0xFFFFFFD0];
	_ =	sdelay $0x4  }
0x28: {  	v2 =	vshll.u32 v1, $0x3  }
0x29: {  	v1 =	vand.u32 $0xF, v1;
	v2 =	vand.u32 $0xFFFFFF80, v2  }
0x2a: {  	v1 =	vor.u32 v1, v2;
	_ =	sdelay $0x4  }
0x2b: {  	[tilespmem:v1+s7+$0x0] =	vst.idx.add.f32.msk $0xffff, v0  }
0x2c: {  	v1 =	vld [tilespmem:s11+$0xFFFFFFE0];
	_ =	sdelay $0x4  }
0x2d: {  	v2 =	vshll.u32 v1, $0x3  }
0x2e: {  	v1 =	vand.u32 $0xF, v1;
	v2 =	vand.u32 $0xFFFFFF80, v2  }
0x2f: {  	v1 =	vor.u32 v1, v2;
	_ =	sdelay $0x4  }
0x30: {  	[tilespmem:v1+s7+$0x0] =	vst.idx.add.f32.msk $0xffff, v0  }
0x31: {  	v1 =	vld [tilespmem:s11+$0xFFFFFFF0];
	_ =	sdelay $0x4  }
0x32: {  	v2 =	vshll.u32 v1, $0x3  }
0x33: {  	v1 =	vand.u32 $0xF, v1;
	v2 =	vand.u32 $0xFFFFFF80, v2  }
0x34: {  	v1 =	vor.u32 v1, v2;
	_ =	sdelay $0x4  }
0x35: {  	[tilespmem:v1+s7+$0x0] =	vst.idx.add.f32.msk $0xffff, v0  }
0x36: {  	v1 =	vld [tilespmem:s11+$0x0];
	_ =	sdelay $0x4  }
0x37: {  	v2 =	vshll.u32 v1, $0x3  }
0x38: {  	v1 =	vand.u32 $0xF, v1;
	v2 =	vand.u32 $0xFFFFFF80, v2  }
0x39: {  	p0 =	sne.s32 s10, $0xBFC0;
	v1 =	vor.u32 v1, v2  }
.Ltmp0:
0x3a: {  	_ = 	snop;
	(pc) =	sbr.rel @p0 .LBB2_2-.Ltmp0, $2  }
0x3b: {  	_ =	sdelay $0x2  }
0x3c: {  	s10 =	sadd.s32 $0x200, s10;
	[tilespmem:v1+s7+$0x0] =	vst.idx.add.f32.msk $0xffff, v0  }
0x3d: {  	s9 =	sadd.s32 $0x1, s9  }
0x3e: {  	p0 =	sne.s32 s9, s6  }
.Ltmp1:
0x3f: {  	_ = 	snop;
	(pc) =	sbr.rel @p0 .LBB2_1-.Ltmp1, $4  }
0x40: {  	[hbm4b:s5+s3] =	stream.linear.scatter [tilespmem:s7], [sflag:$0x1], $0x14000, $0x38;
	[tilespmem:$0x17000] =	vst v63  }
0x41: {  	_ =	swait.ge [sflag:s8], $0x14000  }
0x42: {  	[sflag:s8] =	ssyncset.done $0x0  }
0x43: {  	[sflag:s8] =	ssyncadd.s32 $0xFFFEC000  }
0x44: {  	_ =	sfence.sel $0x180000  }
0x45: {  	[bflag:$0x0] =	sbarrier.arrive $0xFFFF  }
0x46: {  	p0 =	sne.s32 s0, $0x0;
	_ =	strace $0x90000047  }
0x47: {  	s0 =	sadd.s32 @!p0 $0x100000, s1;
	[bflag:$0x2] =	sbarrier.arrive $0xFFFF  }
0x48: {  	[sflag:s0] =	ssyncadd.tile.s32 @!p0 $0x1;
	_ =	shalt  }
.Lfunc_end2:
_tile_overlayer_lowered:
.L_overlay_start_2:
0x49: {  	(tag) =	ssettag $0x2  }
0x4a: {  	s0 =	rddreg [dreg:$0x0];
	s2 =	stileid.u32  }
0x4b: {  	s1 =	rddreg [dreg:$0x1];
	p0 =	sne.s32 s2, $0x0  }
0x4c: {  	s3 =	rddreg [dreg:$0x2];
	[bflag:$0x3] =	sbarrier.arrive $0xFFFF;
	s2 =	simm.s32 @!p0 $0x1C01  }
0x4d: {  	[timem:s3], [sflag:s2] =	dma.local @!p0 [hbm:s0], s1  }
0x4e: {  	s0 =	simm.s32 @!p0 $0x1  }
0x4f: {  	_ =	swait.ge @!p0 [sflag:s0], s1  }
0x50: {  	s1 =	ssub.s32 @!p0 $0x0, s1;
	[sflag:s0] =	ssyncset.done @!p0 $0x0  }
0x51: {  	[sflag:s0] =	ssyncadd.s32 @!p0 s1  }
0x52: {  	[bflag:$0x3] =	sbarrier.arrive $0xFFFF  }
0x53: {  	_ =	shalt  }

</sc_bundles>
